<compile_context>
chip_gen: v7x
topology: tpu7x:2x2x1
jax: 0.10.2.dev20260603
libtpu: 0.0.44.dev20260713+nightly
codegen_flags: <defaults>
</compile_context>

<pallas_src>
import dataclasses
import functools

import jax
import jax.numpy as jnp
from jax import lax
from jax.experimental import pallas as pl
from jax.experimental.pallas import tpu as pltpu
from jax.experimental.pallas import tpu_sc as plsc

_R = 10
_MAXR = 2 * _R - 1
_B = 64
_D = 32
_V = 256


_ROT = [13, 15, 26, 6, 17, 29, 16, 24]
_TINY = float(jnp.finfo(jnp.float32).tiny)


def _gumbel_block(k0, k1):
    shape = (_B, _D, _V)
    i0 = lax.broadcasted_iota(jnp.int32, shape, 0)
    i1 = lax.broadcasted_iota(jnp.int32, shape, 1)
    i2 = lax.broadcasted_iota(jnp.int32, shape, 2)
    x1 = i0 * (_D * _V) + i1 * _V + i2
    ks2 = k0 ^ k1 ^ jnp.int32(0x1BD11BDA)
    x0 = jnp.broadcast_to(k0, shape)
    x1 = x1 + k1
    ks = [k1, ks2, k0, k1, ks2, k0]
    for g in range(5):
        rots = _ROT[:4] if g % 2 == 0 else _ROT[4:]
        for r in rots:
            x0 = x0 + x1
            x1 = (x1 << r) | lax.shift_right_logical(x1, 32 - r)
            x1 = x1 ^ x0
        x0 = x0 + ks[g]
        x1 = x1 + ks[g + 1] + jnp.int32(g + 1)
    bits = x0 ^ x1
    fb = lax.shift_right_logical(bits, 9) | jnp.int32(0x3F800000)
    floats = lax.bitcast_convert_type(fb, jnp.float32) - 1.0
    tiny = jnp.float32(_TINY)
    u = jnp.maximum(tiny, floats * (jnp.float32(1.0) - tiny) + tiny)
    return -jnp.log(-jnp.log(u))


def _stage1_body(keys_ref, w2_ref,
                 vi1_ref, vi2_ref, gv1_ref, gv2_ref, wv1_ref, wv2_ref):
    s = pl.program_id(0)
    g = _gumbel_block(keys_ref[s, 0], keys_ref[s, 1])
    w2 = w2_ref[...]
    w2h = w2 * 0.5
    a = g + w2h[None]
    iov = lax.broadcasted_iota(jnp.int32, (_B, _D, _V), 2)

    m1 = jnp.max(a, axis=-1, keepdims=True)
    vi1 = jnp.min(jnp.where(a == m1, iov, _V), axis=-1)
    sel1 = iov == vi1[..., None]
    am = jnp.where(sel1, -jnp.inf, a)
    m2 = jnp.max(am, axis=-1, keepdims=True)
    vi2 = jnp.min(jnp.where(am == m2, iov, _V), axis=-1)
    sel2 = iov == vi2[..., None]

    w2b = jnp.broadcast_to(w2[None], (_B, _D, _V))
    vi1_ref[0] = vi1
    vi2_ref[0] = vi2
    gv1_ref[0] = jnp.sum(jnp.where(sel1, g, 0.0), axis=-1)
    gv2_ref[0] = jnp.sum(jnp.where(sel2, g, 0.0), axis=-1)
    wv1_ref[0] = jnp.sum(jnp.where(sel1, w2b, 0.0), axis=-1)
    wv2_ref[0] = jnp.sum(jnp.where(sel2, w2b, 0.0), axis=-1)


def _run_stage1(kd, w2):
    f32 = jnp.float32
    i32 = jnp.int32
    row = jax.ShapeDtypeStruct((_MAXR, _B, _D), f32)
    rowi = jax.ShapeDtypeStruct((_MAXR, _B, _D), i32)
    out_shape = (rowi, rowi, row, row, row, row)
    row_spec = pl.BlockSpec((1, _B, _D), lambda s: (s, 0, 0))
    return pl.pallas_call(
        _stage1_body,
        grid=(_MAXR,),
        in_specs=[
            pl.BlockSpec(memory_space=pltpu.SMEM),
            pl.BlockSpec((_D, _V), lambda s: (0, 0)),
        ],
        out_specs=(row_spec,) * 6,
        out_shape=out_shape,
        compiler_params=pltpu.CompilerParams(
            dimension_semantics=("parallel",)),
    )(kd, w2)


def _prep_body(x_ref, w2_ref, s_ref, w0_ref, cat_ref):
    w2 = w2_ref[...]
    iov = lax.broadcasted_iota(jnp.int32, (_B, _D, _V), 2)
    sv = jnp.sum(jnp.exp(w2 * 0.5), axis=-1)
    s_ref[...] = jnp.broadcast_to(sv[None, :], (8, _D))
    x = x_ref[...]
    w0_ref[...] = jnp.sum(x * w2[None], axis=-1)
    cat_ref[...] = jnp.sum(x * iov.astype(jnp.float32),
                           axis=-1).astype(jnp.int32)


def _run_prep(x, w2):
    f32 = jnp.float32
    return pl.pallas_call(
        _prep_body,
        out_shape=(jax.ShapeDtypeStruct((8, _D), f32),
                   jax.ShapeDtypeStruct((_B, _D), f32),
                   jax.ShapeDtypeStruct((_B, _D), jnp.int32)),
    )(x, w2)


def _sampler_body(vi1_hbm, vi2_hbm, gv1_hbm, gv2_hbm, wv1_hbm, wv2_hbm,
                  w0_hbm, cat0_hbm, s_hbm, radm_hbm,
                  caty_hbm, zf_hbm, zb_hbm, misc_hbm,
                  vi1_v, vi2_v, gv1_v, gv2_v, wv1_v, wv2_v,
                  w_v, cat_v, s_v, radm_v, zf_v, zb_v, misc_v):
    wid = lax.axis_index("s") * 2 + lax.axis_index("c")
    base = wid * 2

    pltpu.sync_copy(vi1_hbm.at[:, pl.ds(base, 2), :], vi1_v)
    pltpu.sync_copy(vi2_hbm.at[:, pl.ds(base, 2), :], vi2_v)
    pltpu.sync_copy(gv1_hbm.at[:, pl.ds(base, 2), :], gv1_v)
    pltpu.sync_copy(gv2_hbm.at[:, pl.ds(base, 2), :], gv2_v)
    pltpu.sync_copy(wv1_hbm.at[:, pl.ds(base, 2), :], wv1_v)
    pltpu.sync_copy(wv2_hbm.at[:, pl.ds(base, 2), :], wv2_v)
    pltpu.sync_copy(w0_hbm.at[pl.ds(base, 2)], w_v)
    pltpu.sync_copy(cat0_hbm.at[pl.ds(base, 2)], cat_v)
    pltpu.sync_copy(s_hbm.at[0], s_v)
    pltpu.sync_copy(radm_hbm.at[pl.ds(base, 2)], radm_v)

    io = lax.broadcasted_iota(jnp.int32, (16,), 0)
    ones = jnp.full((16,), 1.0, jnp.float32)
    zero = jnp.full((16,), 0.0, jnp.float32)
    for j in (0, 1):
        for h in (0, 1):
            zf_v[j, pl.ds(16 * h, 16)] = ones
            zb_v[j, pl.ds(16 * h, 16)] = ones
        misc_v[j, pl.ds(0, 16)] = zero

    rvec0 = radm_v[0, pl.ds(0, 16)]
    rvec1 = radm_v[1, pl.ds(0, 16)]
    rad_j = (rvec0[0], rvec1[0])
    maxr_j = (rvec0[1], rvec1[1])

    @pl.loop(0, _MAXR)
    def _step(s):
        for j in (0, 1):
            fm = s < rad_j[j]
            bm = s < maxr_j[j]

            tc = [None, None]
            vc = [None, None]
            wc = [None, None]
            wh = [None, None]
            for h in (0, 1):
                sl = pl.ds(16 * h, 16)
                w_h = w_v[j, sl]
                gv1_h = gv1_v[s, j, sl]
                gv2_h = gv2_v[s, j, sl]
                wv1_h = wv1_v[s, j, sl]
                wv2_h = wv2_v[s, j, sl]
                vi1_h = vi1_v[s, j, sl]
                vi2_h = vi2_v[s, j, sl]
                t1 = (wv1_h - w_h) * 0.5 + gv1_h
                t2 = (wv2_h - w_h) * 0.5 + gv2_h
                cond = (t1 > t2) | ((t1 == t2) & (vi1_h < vi2_h))
                tc[h] = jnp.where(cond, t1, t2)
                vc[h] = jnp.where(cond, vi1_h, vi2_h)
                wc[h] = jnp.where(cond, wv1_h, wv2_h)
                wh[h] = w_h

            m = jnp.maximum(jnp.max(tc[0]), jnp.max(tc[1]))
            d0 = jnp.min(jnp.where(tc[0] == m, io, 999))
            d1 = jnp.min(jnp.where(tc[1] == m, io + 16, 999))
            dstar = jnp.minimum(d0, d1)

            vstar = jnp.int32(0)
            wnew = jnp.float32(0.0)
            wold = jnp.float32(0.0)
            zf_s = jnp.float32(0.0)
            for h in (0, 1):
                msk = (io + 16 * h) == dstar
                vstar = vstar + jnp.sum(jnp.where(msk, vc[h], 0))
                wnew = wnew + jnp.sum(jnp.where(msk, wc[h], 0.0))
                wold = wold + jnp.sum(jnp.where(msk, wh[h], 0.0))
                zf_s = zf_s + jnp.sum(s_v[pl.ds(16 * h, 16)]
                                      * jnp.exp(wh[h] * -0.5))

            sc_idx = (wnew - wold) * 0.5
            zf_val = jnp.where(fm, zf_s, 1.0)

            zb_s = jnp.float32(0.0)
            for h in (0, 1):
                sl = pl.ds(16 * h, 16)
                msk = ((io + 16 * h) == dstar) & fm
                w_new_h = jnp.where(msk, wnew, wh[h])
                c_new_h = jnp.where(msk, vstar, cat_v[j, sl])
                w_v[j, sl] = w_new_h
                cat_v[j, sl] = c_new_h
                zb_s = zb_s + jnp.sum(s_v[sl] * jnp.exp(w_new_h * -0.5))

            sc_idx_b = jnp.where(fm, 0.0, sc_idx)
            zb_val = jnp.where(bm, zb_s, 1.0)

            for h in (0, 1):
                sl = pl.ds(16 * h, 16)
                smsk = (io + 16 * h) == s
                zf_v[j, sl] = jnp.where(smsk, zf_val, zf_v[j, sl])
                zb_v[j, sl] = jnp.where(smsk, zb_val, zb_v[j, sl])
            mv = misc_v[j, pl.ds(0, 16)]
            delta = (jnp.where(io == 0, jnp.where(fm, sc_idx, 0.0), 0.0)
                     + jnp.where(io == 1, jnp.where(bm, sc_idx_b, 0.0), 0.0))
            misc_v[j, pl.ds(0, 16)] = mv + delta

    pltpu.sync_copy(cat_v, caty_hbm.at[pl.ds(base, 2)])
    pltpu.sync_copy(zf_v, zf_hbm.at[pl.ds(base, 2)])
    pltpu.sync_copy(zb_v, zb_hbm.at[pl.ds(base, 2)])
    pltpu.sync_copy(misc_v, misc_hbm.at[pl.ds(base, 2)])


def _run_sampler(vi1, vi2, gv1, gv2, wv1, wv2, w0, cat0, sarr, radm):
    f32 = jnp.float32
    i32 = jnp.int32
    mesh = plsc.VectorSubcoreMesh(core_axis_name="c", subcore_axis_name="s")
    cp = pltpu.CompilerParams()
    if "needs_layout_passes" in pltpu.CompilerParams.__dataclass_fields__:
        cp = dataclasses.replace(cp, needs_layout_passes=False)
    out_type = (jax.ShapeDtypeStruct((_B, _D), i32),
                jax.ShapeDtypeStruct((_B, _D), f32),
                jax.ShapeDtypeStruct((_B, _D), f32),
                jax.ShapeDtypeStruct((_B, 16), f32))
    row = pltpu.VMEM((_MAXR, 2, _D), f32)
    rowi = pltpu.VMEM((_MAXR, 2, _D), i32)
    kern = pl.kernel(
        _sampler_body,
        out_type=out_type,
        mesh=mesh,
        scratch_types=[
            rowi, rowi, row, row, row, row,
            pltpu.VMEM((2, _D), f32),
            pltpu.VMEM((2, _D), i32),
            pltpu.VMEM((_D,), f32),
            pltpu.VMEM((2, 16), i32),
            pltpu.VMEM((2, _D), f32),
            pltpu.VMEM((2, _D), f32),
            pltpu.VMEM((2, 16), f32),
        ],
        compiler_params=cp,
    )
    return kern(vi1, vi2, gv1, gv2, wv1, wv2, w0, cat0, sarr, radm)


def _emit_body(x_ref, w2_ref, cat_ref, zf_ref, zb_ref, misc_ref, u_ref,
               out_ref):
    x = x_ref[...]
    w2 = w2_ref[...]
    cat = cat_ref[...]
    iov = lax.broadcasted_iota(jnp.int32, (_B, _D, _V), 2)
    y1h = (iov == cat[..., None]).astype(jnp.float32)
    score_x = jnp.sum(jnp.sum(x * w2[None], axis=-1), axis=-1)
    score_y = jnp.sum(jnp.sum(y1h * w2[None], axis=-1), axis=-1)
    log_fwd = misc_ref[:, 0] - jnp.sum(jnp.log(zf_ref[...]), axis=-1) + score_x
    log_bwd = misc_ref[:, 1] - jnp.sum(jnp.log(zb_ref[...]), axis=-1) + score_y
    log_acc = log_bwd - log_fwd
    acc = (jnp.exp(log_acc) >= u_ref[:, 0]).astype(jnp.float32)[:, None, None]
    out_ref[...] = y1h * acc + (1.0 - acc) * x


def _run_emit(x, w2, caty, zf, zb, misc, u):
    return pl.pallas_call(
        _emit_body,
        out_shape=jax.ShapeDtypeStruct((_B, _D, _V), jnp.float32),
    )(x, w2, caty, zf, zb, misc, u)


def kernel(x, W):
    bsize, D, V = x.shape
    key = jax.random.key(42)
    k_rad, k_mult, k_acc = jax.random.split(key, 3)
    radius = jax.random.randint(k_rad, (bsize, 1), 1, 2 * _R)
    maxr = jnp.max(radius)
    keys = jax.random.split(k_mult, _MAXR)
    kd = lax.bitcast_convert_type(jax.random.key_data(keys), jnp.int32)
    u = jax.random.uniform(k_acc, (bsize,))

    w2 = W.reshape(D, V)
    radm = jnp.concatenate(
        [radius.astype(jnp.int32),
         jnp.broadcast_to(maxr.astype(jnp.int32), (bsize, 1)),
         jnp.zeros((bsize, 14), jnp.int32)], axis=1)
    u2 = jnp.broadcast_to(u[:, None], (bsize, 16))

    vi1, vi2, gv1, gv2, wv1, wv2 = _run_stage1(kd, w2)
    sarr, w0, cat0 = _run_prep(x, w2)
    caty, zf, zb, misc = _run_sampler(vi1, vi2, gv1, gv2, wv1, wv2,
                                      w0, cat0, sarr, radm)
    return _run_emit(x, w2, caty, zf, zb, misc, u2)

# --- scband reference (transcript-rebuilt; emitter-appended) ---
"""Pipeline reference for scband-mspath-cat-sampler-24816321036792 (READ-ONLY COPY).

The authoritative reference and input builder live on the scoring server;
editing this copy changes nothing except your own understanding.
"""

import jax, jax.numpy as jnp
import numpy as np

R = 10

def _model_score(x, W):
    b = x.shape[0]
    return x.reshape(b, -1) @ W

def setup_inputs(seed: int = 0):
    key = jax.random.key(seed)
    k1, k2 = jax.random.split(key)
    bsize, D, V = 64, 32, 256
    cat = jax.random.randint(k1, (bsize, D), 0, V)
    x = jax.nn.one_hot(cat, V, dtype=jnp.float32)
    W = jax.random.normal(k2, (D * V,), dtype=jnp.float32) * 0.02
    return {"x": x, "W": W}

def reference(x, W):
    bsize, D, V = x.shape
    key = jax.random.key(42)
    k_rad, k_mult, k_acc = jax.random.split(key, 3)
    radius = jax.random.randint(k_rad, (bsize, 1), 1, 2 * R)
    max_r = 2 * R - 1
    steps_mask = (jnp.arange(max_r) < jnp.max(radius)).astype(jnp.float32)
    r_mask = (jnp.arange(max_r)[None, :] < radius).astype(jnp.float32)
    score_x = _model_score(x, W)
    grad_x = jax.lax.stop_gradient(jax.grad(lambda z: _model_score(z, W).sum())(x))
    traj_list = []
    idx_list = []
    cur_x = jax.lax.stop_gradient(x)
    keys = jax.random.split(k_mult, max_r)
    for step in range(max_r):
        score_change = grad_x - (grad_x * cur_x).sum(-1, keepdims=True)
        traj_list.append(cur_x)
        logits = score_change.reshape(bsize, -1) / 2.0
        index = jax.random.categorical(keys[step], logits, axis=-1)
        idx_list.append(index[:, None])
        onehot_index = jax.nn.one_hot(index, D * V, dtype=jnp.float32).reshape(cur_x.shape)
        data_dim_change = onehot_index.sum(-1, keepdims=True)
        new_x = cur_x * (1.0 - data_dim_change) + onehot_index
        cur_r_mask = r_mask[:, step][:, None, None]
        cur_x = cur_r_mask * new_x + (1.0 - cur_r_mask) * cur_x
    y = cur_x
    score_y = _model_score(y, W)
    grad_y = jax.lax.stop_gradient(jax.grad(lambda z: _model_score(z, W).sum())(y))
    b_idx2 = jnp.arange(bsize)[:, None]
    r_idx = jnp.arange(max_r)[None, :]
    idxs = jnp.concatenate(idx_list, axis=1)
    traj = jnp.stack(traj_list, axis=1)
    sc = grad_x[:, None] - (grad_x[:, None] * traj).sum(-1, keepdims=True)
    sc = sc.reshape(bsize, max_r, -1) / 2.0
    log_local = jax.nn.log_softmax(sc, axis=-1)
    log_fwd = jnp.sum(log_local[b_idx2, r_idx, idxs] * r_mask, axis=-1) + score_x.reshape(-1)
    traj_list.append(y)
    traj = jnp.stack(traj_list[1:], axis=1)
    sc = grad_y[:, None] - (grad_y[:, None] * traj).sum(-1, keepdims=True)
    sc = sc.reshape(bsize, max_r, -1) / 2.0
    log_local = jax.nn.log_softmax(sc, axis=-1)
    log_backwd = jnp.sum(log_local[b_idx2, r_idx, idxs] * steps_mask[None, :], axis=-1) + score_y.reshape(-1)
    log_acc = log_backwd - log_fwd
    u = jax.random.uniform(k_acc, log_acc.shape)
    accepted = (jnp.exp(log_acc) >= u).astype(jnp.float32).reshape(-1, 1, 1)
    accepted = jax.lax.stop_gradient(accepted)
    y_sg = jax.lax.stop_gradient(y)
    new_x = y_sg * accepted + (1.0 - accepted) * x
    return new_x

if __name__ == "__main__":
    import jax
    _d = setup_inputs()
    print(jax.jit(kernel)(*tuple(_d.values())))

</pallas_src>

<mosaic_0001>
#map = affine_map<(d0, d1) -> (0, 0, 0)>
#map1 = affine_map<(d0, d1) -> (0, 0)>
module attributes {stable_mosaic.version = 14 : i64} {
  func.func @_sampler_body(%arg0: i32, %arg1: i32, %arg2: memref<19x64x32xi32, #tpu.memory_space<hbm>>, %arg3: memref<19x64x32xi32, #tpu.memory_space<hbm>>, %arg4: memref<19x64x32xf32, #tpu.memory_space<hbm>>, %arg5: memref<19x64x32xf32, #tpu.memory_space<hbm>>, %arg6: memref<19x64x32xf32, #tpu.memory_space<hbm>>, %arg7: memref<19x64x32xf32, #tpu.memory_space<hbm>>, %arg8: memref<64x32xf32, #tpu.memory_space<hbm>>, %arg9: memref<64x32xi32, #tpu.memory_space<hbm>>, %arg10: memref<8x32xf32, #tpu.memory_space<hbm>>, %arg11: memref<64x16xi32, #tpu.memory_space<hbm>>, %arg12: memref<64x32xi32, #tpu.memory_space<hbm>>, %arg13: memref<64x32xf32, #tpu.memory_space<hbm>>, %arg14: memref<64x32xf32, #tpu.memory_space<hbm>>, %arg15: memref<64x16xf32, #tpu.memory_space<hbm>>, %arg16: memref<19x2x32xi32, #tpu.memory_space<vmem>>, %arg17: memref<19x2x32xi32, #tpu.memory_space<vmem>>, %arg18: memref<19x2x32xf32, #tpu.memory_space<vmem>>, %arg19: memref<19x2x32xf32, #tpu.memory_space<vmem>>, %arg20: memref<19x2x32xf32, #tpu.memory_space<vmem>>, %arg21: memref<19x2x32xf32, #tpu.memory_space<vmem>>, %arg22: memref<2x32xf32, #tpu.memory_space<vmem>>, %arg23: memref<2x32xi32, #tpu.memory_space<vmem>>, %arg24: memref<32xf32, #tpu.memory_space<vmem>>, %arg25: memref<2x16xi32, #tpu.memory_space<vmem>>, %arg26: memref<2x32xf32, #tpu.memory_space<vmem>>, %arg27: memref<2x32xf32, #tpu.memory_space<vmem>>, %arg28: memref<2x16xf32, #tpu.memory_space<vmem>>) attributes {dimension_semantics = [#tpu.dimension_semantics<core_parallel>, #tpu.dimension_semantics<subcore_parallel>], iteration_bounds = array<i64: 2, 16>, scalar_prefetch = 0 : i64, scratch_operands = 13 : i64, tpu.core_type = #tpu.core_type<sc_vector_subcore>, window_params = [{transform_indices = #map}, {transform_indices = #map}, {transform_indices = #map}, {transform_indices = #map}, {transform_indices = #map}, {transform_indices = #map}, {transform_indices = #map1}, {transform_indices = #map1}, {transform_indices = #map1}, {transform_indices = #map1}, {transform_indices = #map1}, {transform_indices = #map1}, {transform_indices = #map1}, {transform_indices = #map1}]} {
    %mul3A = arith.constant 2 : i32
    %mul3A_0 = arith.muli %arg1, %mul3A : i32
    %add3A = arith.addi %mul3A_0, %arg0 : i32
    %mul3A_1 = arith.constant 2 : i32
    %mul3A_2 = arith.muli %add3A, %mul3A_1 : i32
    "tpu.region"() ({
      %run_scoped3A_62 = tpu.sem_alloc : memref<!tpu.dma_semaphore, #tpu.memory_space<semaphore_mem>>
      %dma_start3A = arith.constant 0 : i32
      %dma_start3A_63 = arith.constant 0 : i32
      %dma_start3A_64 = tpu.memref_slice %arg2[%dma_start3A, %mul3A_2, %dma_start3A_63] : memref<19x64x32xi32, #tpu.memory_space<hbm>> -> memref<19x2x32xi32, #tpu.memory_space<hbm>>
      %dma_start3A_65 = arith.constant 0 : i32
      %dma_start3A_66 = arith.constant 0 : i32
      %dma_start3A_67 = tpu.memref_slice %arg2[%dma_start3A_65, %mul3A_2, %dma_start3A_66] : memref<19x64x32xi32, #tpu.memory_space<hbm>> -> memref<19x2x32xi32, #tpu.memory_space<hbm>>
      tpu.enqueue_dma source(%dma_start3A_67 : memref<19x2x32xi32, #tpu.memory_space<hbm>>) target(%arg16 : memref<19x2x32xi32, #tpu.memory_space<vmem>>) target_semaphore(%run_scoped3A_62 : memref<!tpu.dma_semaphore, #tpu.memory_space<semaphore_mem>>)
      %dma_wait3A = arith.constant 0 : i32
      %dma_wait3A_68 = arith.constant 0 : i32
      %dma_wait3A_69 = tpu.memref_slice %arg2[%dma_wait3A, %mul3A_2, %dma_wait3A_68] : memref<19x64x32xi32, #tpu.memory_space<hbm>> -> memref<19x2x32xi32, #tpu.memory_space<hbm>>
      %dma_wait3A_70 = arith.constant 0 : i32
      %dma_wait3A_71 = arith.constant 0 : i32
      %dma_wait3A_72 = tpu.memref_slice %arg2[%dma_wait3A_70, %mul3A_2, %dma_wait3A_71] : memref<19x64x32xi32, #tpu.memory_space<hbm>> -> memref<19x2x32xi32, #tpu.memory_space<hbm>>
      tpu.wait_dma2 semaphore(%run_scoped3A_62 : memref<!tpu.dma_semaphore, #tpu.memory_space<semaphore_mem>>) src(%dma_wait3A_72 : memref<19x2x32xi32, #tpu.memory_space<hbm>>) dst(%arg16 : memref<19x2x32xi32, #tpu.memory_space<vmem>>)
      tpu.yield
    }) : () -> ()
    "tpu.region"() ({
      %run_scoped3A_62 = tpu.sem_alloc : memref<!tpu.dma_semaphore, #tpu.memory_space<semaphore_mem>>
      %dma_start3A = arith.constant 0 : i32
      %dma_start3A_63 = arith.constant 0 : i32
      %dma_start3A_64 = tpu.memref_slice %arg3[%dma_start3A, %mul3A_2, %dma_start3A_63] : memref<19x64x32xi32, #tpu.memory_space<hbm>> -> memref<19x2x32xi32, #tpu.memory_space<hbm>>
      %dma_start3A_65 = arith.constant 0 : i32
      %dma_start3A_66 = arith.constant 0 : i32
      %dma_start3A_67 = tpu.memref_slice %arg3[%dma_start3A_65, %mul3A_2, %dma_start3A_66] : memref<19x64x32xi32, #tpu.memory_space<hbm>> -> memref<19x2x32xi32, #tpu.memory_space<hbm>>
      tpu.enqueue_dma source(%dma_start3A_67 : memref<19x2x32xi32, #tpu.memory_space<hbm>>) target(%arg17 : memref<19x2x32xi32, #tpu.memory_space<vmem>>) target_semaphore(%run_scoped3A_62 : memref<!tpu.dma_semaphore, #tpu.memory_space<semaphore_mem>>)
      %dma_wait3A = arith.constant 0 : i32
      %dma_wait3A_68 = arith.constant 0 : i32
      %dma_wait3A_69 = tpu.memref_slice %arg3[%dma_wait3A, %mul3A_2, %dma_wait3A_68] : memref<19x64x32xi32, #tpu.memory_space<hbm>> -> memref<19x2x32xi32, #tpu.memory_space<hbm>>
      %dma_wait3A_70 = arith.constant 0 : i32
      %dma_wait3A_71 = arith.constant 0 : i32
      %dma_wait3A_72 = tpu.memref_slice %arg3[%dma_wait3A_70, %mul3A_2, %dma_wait3A_71] : memref<19x64x32xi32, #tpu.memory_space<hbm>> -> memref<19x2x32xi32, #tpu.memory_space<hbm>>
      tpu.wait_dma2 semaphore(%run_scoped3A_62 : memref<!tpu.dma_semaphore, #tpu.memory_space<semaphore_mem>>) src(%dma_wait3A_72 : memref<19x2x32xi32, #tpu.memory_space<hbm>>) dst(%arg17 : memref<19x2x32xi32, #tpu.memory_space<vmem>>)
      tpu.yield
    }) : () -> ()
    "tpu.region"() ({
      %run_scoped3A_62 = tpu.sem_alloc : memref<!tpu.dma_semaphore, #tpu.memory_space<semaphore_mem>>
      %dma_start3A = arith.constant 0 : i32
      %dma_start3A_63 = arith.constant 0 : i32
      %dma_start3A_64 = tpu.memref_slice %arg4[%dma_start3A, %mul3A_2, %dma_start3A_63] : memref<19x64x32xf32, #tpu.memory_space<hbm>> -> memref<19x2x32xf32, #tpu.memory_space<hbm>>
      %dma_start3A_65 = arith.constant 0 : i32
      %dma_start3A_66 = arith.constant 0 : i32
      %dma_start3A_67 = tpu.memref_slice %arg4[%dma_start3A_65, %mul3A_2, %dma_start3A_66] : memref<19x64x32xf32, #tpu.memory_space<hbm>> -> memref<19x2x32xf32, #tpu.memory_space<hbm>>
      tpu.enqueue_dma source(%dma_start3A_67 : memref<19x2x32xf32, #tpu.memory_space<hbm>>) target(%arg18 : memref<19x2x32xf32, #tpu.memory_space<vmem>>) target_semaphore(%run_scoped3A_62 : memref<!tpu.dma_semaphore, #tpu.memory_space<semaphore_mem>>)
      %dma_wait3A = arith.constant 0 : i32
      %dma_wait3A_68 = arith.constant 0 : i32
      %dma_wait3A_69 = tpu.memref_slice %arg4[%dma_wait3A, %mul3A_2, %dma_wait3A_68] : memref<19x64x32xf32, #tpu.memory_space<hbm>> -> memref<19x2x32xf32, #tpu.memory_space<hbm>>
      %dma_wait3A_70 = arith.constant 0 : i32
      %dma_wait3A_71 = arith.constant 0 : i32
      %dma_wait3A_72 = tpu.memref_slice %arg4[%dma_wait3A_70, %mul3A_2, %dma_wait3A_71] : memref<19x64x32xf32, #tpu.memory_space<hbm>> -> memref<19x2x32xf32, #tpu.memory_space<hbm>>
      tpu.wait_dma2 semaphore(%run_scoped3A_62 : memref<!tpu.dma_semaphore, #tpu.memory_space<semaphore_mem>>) src(%dma_wait3A_72 : memref<19x2x32xf32, #tpu.memory_space<hbm>>) dst(%arg18 : memref<19x2x32xf32, #tpu.memory_space<vmem>>)
      tpu.yield
    }) : () -> ()
    "tpu.region"() ({
      %run_scoped3A_62 = tpu.sem_alloc : memref<!tpu.dma_semaphore, #tpu.memory_space<semaphore_mem>>
      %dma_start3A = arith.constant 0 : i32
      %dma_start3A_63 = arith.constant 0 : i32
      %dma_start3A_64 = tpu.memref_slice %arg5[%dma_start3A, %mul3A_2, %dma_start3A_63] : memref<19x64x32xf32, #tpu.memory_space<hbm>> -> memref<19x2x32xf32, #tpu.memory_space<hbm>>
      %dma_start3A_65 = arith.constant 0 : i32
      %dma_start3A_66 = arith.constant 0 : i32
      %dma_start3A_67 = tpu.memref_slice %arg5[%dma_start3A_65, %mul3A_2, %dma_start3A_66] : memref<19x64x32xf32, #tpu.memory_space<hbm>> -> memref<19x2x32xf32, #tpu.memory_space<hbm>>
      tpu.enqueue_dma source(%dma_start3A_67 : memref<19x2x32xf32, #tpu.memory_space<hbm>>) target(%arg19 : memref<19x2x32xf32, #tpu.memory_space<vmem>>) target_semaphore(%run_scoped3A_62 : memref<!tpu.dma_semaphore, #tpu.memory_space<semaphore_mem>>)
      %dma_wait3A = arith.constant 0 : i32
      %dma_wait3A_68 = arith.constant 0 : i32
      %dma_wait3A_69 = tpu.memref_slice %arg5[%dma_wait3A, %mul3A_2, %dma_wait3A_68] : memref<19x64x32xf32, #tpu.memory_space<hbm>> -> memref<19x2x32xf32, #tpu.memory_space<hbm>>
      %dma_wait3A_70 = arith.constant 0 : i32
      %dma_wait3A_71 = arith.constant 0 : i32
      %dma_wait3A_72 = tpu.memref_slice %arg5[%dma_wait3A_70, %mul3A_2, %dma_wait3A_71] : memref<19x64x32xf32, #tpu.memory_space<hbm>> -> memref<19x2x32xf32, #tpu.memory_space<hbm>>
      tpu.wait_dma2 semaphore(%run_scoped3A_62 : memref<!tpu.dma_semaphore, #tpu.memory_space<semaphore_mem>>) src(%dma_wait3A_72 : memref<19x2x32xf32, #tpu.memory_space<hbm>>) dst(%arg19 : memref<19x2x32xf32, #tpu.memory_space<vmem>>)
      tpu.yield
    }) : () -> ()
    "tpu.region"() ({
      %run_scoped3A_62 = tpu.sem_alloc : memref<!tpu.dma_semaphore, #tpu.memory_space<semaphore_mem>>
      %dma_start3A = arith.constant 0 : i32
      %dma_start3A_63 = arith.constant 0 : i32
      %dma_start3A_64 = tpu.memref_slice %arg6[%dma_start3A, %mul3A_2, %dma_start3A_63] : memref<19x64x32xf32, #tpu.memory_space<hbm>> -> memref<19x2x32xf32, #tpu.memory_space<hbm>>
      %dma_start3A_65 = arith.constant 0 : i32
      %dma_start3A_66 = arith.constant 0 : i32
      %dma_start3A_67 = tpu.memref_slice %arg6[%dma_start3A_65, %mul3A_2, %dma_start3A_66] : memref<19x64x32xf32, #tpu.memory_space<hbm>> -> memref<19x2x32xf32, #tpu.memory_space<hbm>>
      tpu.enqueue_dma source(%dma_start3A_67 : memref<19x2x32xf32, #tpu.memory_space<hbm>>) target(%arg20 : memref<19x2x32xf32, #tpu.memory_space<vmem>>) target_semaphore(%run_scoped3A_62 : memref<!tpu.dma_semaphore, #tpu.memory_space<semaphore_mem>>)
      %dma_wait3A = arith.constant 0 : i32
      %dma_wait3A_68 = arith.constant 0 : i32
      %dma_wait3A_69 = tpu.memref_slice %arg6[%dma_wait3A, %mul3A_2, %dma_wait3A_68] : memref<19x64x32xf32, #tpu.memory_space<hbm>> -> memref<19x2x32xf32, #tpu.memory_space<hbm>>
      %dma_wait3A_70 = arith.constant 0 : i32
      %dma_wait3A_71 = arith.constant 0 : i32
      %dma_wait3A_72 = tpu.memref_slice %arg6[%dma_wait3A_70, %mul3A_2, %dma_wait3A_71] : memref<19x64x32xf32, #tpu.memory_space<hbm>> -> memref<19x2x32xf32, #tpu.memory_space<hbm>>
      tpu.wait_dma2 semaphore(%run_scoped3A_62 : memref<!tpu.dma_semaphore, #tpu.memory_space<semaphore_mem>>) src(%dma_wait3A_72 : memref<19x2x32xf32, #tpu.memory_space<hbm>>) dst(%arg20 : memref<19x2x32xf32, #tpu.memory_space<vmem>>)
      tpu.yield
    }) : () -> ()
    "tpu.region"() ({
      %run_scoped3A_62 = tpu.sem_alloc : memref<!tpu.dma_semaphore, #tpu.memory_space<semaphore_mem>>
      %dma_start3A = arith.constant 0 : i32
      %dma_start3A_63 = arith.constant 0 : i32
      %dma_start3A_64 = tpu.memref_slice %arg7[%dma_start3A, %mul3A_2, %dma_start3A_63] : memref<19x64x32xf32, #tpu.memory_space<hbm>> -> memref<19x2x32xf32, #tpu.memory_space<hbm>>
      %dma_start3A_65 = arith.constant 0 : i32
      %dma_start3A_66 = arith.constant 0 : i32
      %dma_start3A_67 = tpu.memref_slice %arg7[%dma_start3A_65, %mul3A_2, %dma_start3A_66] : memref<19x64x32xf32, #tpu.memory_space<hbm>> -> memref<19x2x32xf32, #tpu.memory_space<hbm>>
      tpu.enqueue_dma source(%dma_start3A_67 : memref<19x2x32xf32, #tpu.memory_space<hbm>>) target(%arg21 : memref<19x2x32xf32, #tpu.memory_space<vmem>>) target_semaphore(%run_scoped3A_62 : memref<!tpu.dma_semaphore, #tpu.memory_space<semaphore_mem>>)
      %dma_wait3A = arith.constant 0 : i32
      %dma_wait3A_68 = arith.constant 0 : i32
      %dma_wait3A_69 = tpu.memref_slice %arg7[%dma_wait3A, %mul3A_2, %dma_wait3A_68] : memref<19x64x32xf32, #tpu.memory_space<hbm>> -> memref<19x2x32xf32, #tpu.memory_space<hbm>>
      %dma_wait3A_70 = arith.constant 0 : i32
      %dma_wait3A_71 = arith.constant 0 : i32
      %dma_wait3A_72 = tpu.memref_slice %arg7[%dma_wait3A_70, %mul3A_2, %dma_wait3A_71] : memref<19x64x32xf32, #tpu.memory_space<hbm>> -> memref<19x2x32xf32, #tpu.memory_space<hbm>>
      tpu.wait_dma2 semaphore(%run_scoped3A_62 : memref<!tpu.dma_semaphore, #tpu.memory_space<semaphore_mem>>) src(%dma_wait3A_72 : memref<19x2x32xf32, #tpu.memory_space<hbm>>) dst(%arg21 : memref<19x2x32xf32, #tpu.memory_space<vmem>>)
      tpu.yield
    }) : () -> ()
    "tpu.region"() ({
      %run_scoped3A_62 = tpu.sem_alloc : memref<!tpu.dma_semaphore, #tpu.memory_space<semaphore_mem>>
      %dma_start3A = arith.constant 0 : i32
      %dma_start3A_63 = tpu.memref_slice %arg8[%mul3A_2, %dma_start3A] : memref<64x32xf32, #tpu.memory_space<hbm>> -> memref<2x32xf32, #tpu.memory_space<hbm>>
      %dma_start3A_64 = arith.constant 0 : i32
      %dma_start3A_65 = tpu.memref_slice %arg8[%mul3A_2, %dma_start3A_64] : memref<64x32xf32, #tpu.memory_space<hbm>> -> memref<2x32xf32, #tpu.memory_space<hbm>>
      tpu.enqueue_dma source(%dma_start3A_65 : memref<2x32xf32, #tpu.memory_space<hbm>>) target(%arg22 : memref<2x32xf32, #tpu.memory_space<vmem>>) target_semaphore(%run_scoped3A_62 : memref<!tpu.dma_semaphore, #tpu.memory_space<semaphore_mem>>)
      %dma_wait3A = arith.constant 0 : i32
      %dma_wait3A_66 = tpu.memref_slice %arg8[%mul3A_2, %dma_wait3A] : memref<64x32xf32, #tpu.memory_space<hbm>> -> memref<2x32xf32, #tpu.memory_space<hbm>>
      %dma_wait3A_67 = arith.constant 0 : i32
      %dma_wait3A_68 = tpu.memref_slice %arg8[%mul3A_2, %dma_wait3A_67] : memref<64x32xf32, #tpu.memory_space<hbm>> -> memref<2x32xf32, #tpu.memory_space<hbm>>
      tpu.wait_dma2 semaphore(%run_scoped3A_62 : memref<!tpu.dma_semaphore, #tpu.memory_space<semaphore_mem>>) src(%dma_wait3A_68 : memref<2x32xf32, #tpu.memory_space<hbm>>) dst(%arg22 : memref<2x32xf32, #tpu.memory_space<vmem>>)
      tpu.yield
    }) : () -> ()
    "tpu.region"() ({
      %run_scoped3A_62 = tpu.sem_alloc : memref<!tpu.dma_semaphore, #tpu.memory_space<semaphore_mem>>
      %dma_start3A = arith.constant 0 : i32
      %dma_start3A_63 = tpu.memref_slice %arg9[%mul3A_2, %dma_start3A] : memref<64x32xi32, #tpu.memory_space<hbm>> -> memref<2x32xi32, #tpu.memory_space<hbm>>
      %dma_start3A_64 = arith.constant 0 : i32
      %dma_start3A_65 = tpu.memref_slice %arg9[%mul3A_2, %dma_start3A_64] : memref<64x32xi32, #tpu.memory_space<hbm>> -> memref<2x32xi32, #tpu.memory_space<hbm>>
      tpu.enqueue_dma source(%dma_start3A_65 : memref<2x32xi32, #tpu.memory_space<hbm>>) target(%arg23 : memref<2x32xi32, #tpu.memory_space<vmem>>) target_semaphore(%run_scoped3A_62 : memref<!tpu.dma_semaphore, #tpu.memory_space<semaphore_mem>>)
      %dma_wait3A = arith.constant 0 : i32
      %dma_wait3A_66 = tpu.memref_slice %arg9[%mul3A_2, %dma_wait3A] : memref<64x32xi32, #tpu.memory_space<hbm>> -> memref<2x32xi32, #tpu.memory_space<hbm>>
      %dma_wait3A_67 = arith.constant 0 : i32
      %dma_wait3A_68 = tpu.memref_slice %arg9[%mul3A_2, %dma_wait3A_67] : memref<64x32xi32, #tpu.memory_space<hbm>> -> memref<2x32xi32, #tpu.memory_space<hbm>>
      tpu.wait_dma2 semaphore(%run_scoped3A_62 : memref<!tpu.dma_semaphore, #tpu.memory_space<semaphore_mem>>) src(%dma_wait3A_68 : memref<2x32xi32, #tpu.memory_space<hbm>>) dst(%arg23 : memref<2x32xi32, #tpu.memory_space<vmem>>)
      tpu.yield
    }) : () -> ()
    %run_scoped3A = arith.constant 0 : i32
    "tpu.region"() ({
      %run_scoped3A_62 = tpu.sem_alloc : memref<!tpu.dma_semaphore, #tpu.memory_space<semaphore_mem>>
      %dma_start3A = arith.constant 0 : i32
      %dma_start3A_63 = tpu.memref_slice %arg10[%run_scoped3A, %dma_start3A] : memref<8x32xf32, #tpu.memory_space<hbm>> -> memref<1x32xf32, #tpu.memory_space<hbm>>
      %dma_start3A_64 = tpu.memref_squeeze %dma_start3A_63 : memref<1x32xf32, #tpu.memory_space<hbm>> -> memref<32xf32, #tpu.memory_space<hbm>>
      %dma_start3A_65 = arith.constant 0 : i32
      %dma_start3A_66 = tpu.memref_slice %arg10[%run_scoped3A, %dma_start3A_65] : memref<8x32xf32, #tpu.memory_space<hbm>> -> memref<1x32xf32, #tpu.memory_space<hbm>>
      %dma_start3A_67 = tpu.memref_squeeze %dma_start3A_66 : memref<1x32xf32, #tpu.memory_space<hbm>> -> memref<32xf32, #tpu.memory_space<hbm>>
      tpu.enqueue_dma source(%dma_start3A_67 : memref<32xf32, #tpu.memory_space<hbm>>) target(%arg24 : memref<32xf32, #tpu.memory_space<vmem>>) target_semaphore(%run_scoped3A_62 : memref<!tpu.dma_semaphore, #tpu.memory_space<semaphore_mem>>)
      %dma_wait3A = arith.constant 0 : i32
      %dma_wait3A_68 = tpu.memref_slice %arg10[%run_scoped3A, %dma_wait3A] : memref<8x32xf32, #tpu.memory_space<hbm>> -> memref<1x32xf32, #tpu.memory_space<hbm>>
      %dma_wait3A_69 = tpu.memref_squeeze %dma_wait3A_68 : memref<1x32xf32, #tpu.memory_space<hbm>> -> memref<32xf32, #tpu.memory_space<hbm>>
      %dma_wait3A_70 = arith.constant 0 : i32
      %dma_wait3A_71 = tpu.memref_slice %arg10[%run_scoped3A, %dma_wait3A_70] : memref<8x32xf32, #tpu.memory_space<hbm>> -> memref<1x32xf32, #tpu.memory_space<hbm>>
      %dma_wait3A_72 = tpu.memref_squeeze %dma_wait3A_71 : memref<1x32xf32, #tpu.memory_space<hbm>> -> memref<32xf32, #tpu.memory_space<hbm>>
      tpu.wait_dma2 semaphore(%run_scoped3A_62 : memref<!tpu.dma_semaphore, #tpu.memory_space<semaphore_mem>>) src(%dma_wait3A_72 : memref<32xf32, #tpu.memory_space<hbm>>) dst(%arg24 : memref<32xf32, #tpu.memory_space<vmem>>)
      tpu.yield
    }) : () -> ()
    "tpu.region"() ({
      %run_scoped3A_62 = tpu.sem_alloc : memref<!tpu.dma_semaphore, #tpu.memory_space<semaphore_mem>>
      %dma_start3A = arith.constant 0 : i32
      %dma_start3A_63 = tpu.memref_slice %arg11[%mul3A_2, %dma_start3A] : memref<64x16xi32, #tpu.memory_space<hbm>> -> memref<2x16xi32, #tpu.memory_space<hbm>>
      %dma_start3A_64 = arith.constant 0 : i32
      %dma_start3A_65 = tpu.memref_slice %arg11[%mul3A_2, %dma_start3A_64] : memref<64x16xi32, #tpu.memory_space<hbm>> -> memref<2x16xi32, #tpu.memory_space<hbm>>
      tpu.enqueue_dma source(%dma_start3A_65 : memref<2x16xi32, #tpu.memory_space<hbm>>) target(%arg25 : memref<2x16xi32, #tpu.memory_space<vmem>>) target_semaphore(%run_scoped3A_62 : memref<!tpu.dma_semaphore, #tpu.memory_space<semaphore_mem>>)
      %dma_wait3A = arith.constant 0 : i32
      %dma_wait3A_66 = tpu.memref_slice %arg11[%mul3A_2, %dma_wait3A] : memref<64x16xi32, #tpu.memory_space<hbm>> -> memref<2x16xi32, #tpu.memory_space<hbm>>
      %dma_wait3A_67 = arith.constant 0 : i32
      %dma_wait3A_68 = tpu.memref_slice %arg11[%mul3A_2, %dma_wait3A_67] : memref<64x16xi32, #tpu.memory_space<hbm>> -> memref<2x16xi32, #tpu.memory_space<hbm>>
      tpu.wait_dma2 semaphore(%run_scoped3A_62 : memref<!tpu.dma_semaphore, #tpu.memory_space<semaphore_mem>>) src(%dma_wait3A_68 : memref<2x16xi32, #tpu.memory_space<hbm>>) dst(%arg25 : memref<2x16xi32, #tpu.memory_space<vmem>>)
      tpu.yield
    }) : () -> ()
    %iota3A = tpu.iota {dimensions = array<i32: 0>} : vector<16xi32>
    %broadcast_in_dim3A = arith.constant 1.000000e+00 : f32
    %broadcast_in_dim3A_3 = vector.broadcast %broadcast_in_dim3A : f32 to vector<16xf32>
    %broadcast_in_dim3A_4 = arith.constant 0.000000e+00 : f32
    %broadcast_in_dim3A_5 = vector.broadcast %broadcast_in_dim3A_4 : f32 to vector<16xf32>
    %swap3A = arith.constant 0 : i32
    %swap3A_6 = arith.index_cast %swap3A : i32 to index
    %swap3A_7 = arith.constant 0 : index
    %swap3A_8 = tpu.vector_load %arg26[%swap3A_6, %swap3A_7] {strides = array<i32>} : memref<2x32xf32, #tpu.memory_space<vmem>>, vector<16xf32>,
    tpu.vector_store %arg26[%swap3A_6, %swap3A_7], %broadcast_in_dim3A_3 {strides = array<i32>} : memref<2x32xf32, #tpu.memory_space<vmem>>, vector<16xf32>,
    %swap3A_9 = arith.constant 0 : i32
    %swap3A_10 = arith.index_cast %swap3A_9 : i32 to index
    %swap3A_11 = arith.constant 0 : index
    %swap3A_12 = tpu.vector_load %arg27[%swap3A_10, %swap3A_11] {strides = array<i32>} : memref<2x32xf32, #tpu.memory_space<vmem>>, vector<16xf32>,
    tpu.vector_store %arg27[%swap3A_10, %swap3A_11], %broadcast_in_dim3A_3 {strides = array<i32>} : memref<2x32xf32, #tpu.memory_space<vmem>>, vector<16xf32>,
    %swap3A_13 = arith.constant 0 : i32
    %swap3A_14 = arith.index_cast %swap3A_13 : i32 to index
    %swap3A_15 = arith.constant 16 : index
    %swap3A_16 = tpu.vector_load %arg26[%swap3A_14, %swap3A_15] {strides = array<i32>} : memref<2x32xf32, #tpu.memory_space<vmem>>, vector<16xf32>,
    tpu.vector_store %arg26[%swap3A_14, %swap3A_15], %broadcast_in_dim3A_3 {strides = array<i32>} : memref<2x32xf32, #tpu.memory_space<vmem>>, vector<16xf32>,
    %swap3A_17 = arith.constant 0 : i32
    %swap3A_18 = arith.index_cast %swap3A_17 : i32 to index
    %swap3A_19 = arith.constant 16 : index
    %swap3A_20 = tpu.vector_load %arg27[%swap3A_18, %swap3A_19] {strides = array<i32>} : memref<2x32xf32, #tpu.memory_space<vmem>>, vector<16xf32>,
    tpu.vector_store %arg27[%swap3A_18, %swap3A_19], %broadcast_in_dim3A_3 {strides = array<i32>} : memref<2x32xf32, #tpu.memory_space<vmem>>, vector<16xf32>,
    %swap3A_21 = arith.constant 0 : i32
    %swap3A_22 = arith.index_cast %swap3A_21 : i32 to index
    %swap3A_23 = arith.constant 0 : index
    %swap3A_24 = tpu.vector_load %arg28[%swap3A_22, %swap3A_23] {strides = array<i32>} : memref<2x16xf32, #tpu.memory_space<vmem>>, vector<16xf32>,
    tpu.vector_store %arg28[%swap3A_22, %swap3A_23], %broadcast_in_dim3A_5 {strides = array<i32>} : memref<2x16xf32, #tpu.memory_space<vmem>>, vector<16xf32>,
    %swap3A_25 = arith.constant 1 : i32
    %swap3A_26 = arith.index_cast %swap3A_25 : i32 to index
    %swap3A_27 = arith.constant 0 : index
    %swap3A_28 = tpu.vector_load %arg26[%swap3A_26, %swap3A_27] {strides = array<i32>} : memref<2x32xf32, #tpu.memory_space<vmem>>, vector<16xf32>,
    tpu.vector_store %arg26[%swap3A_26, %swap3A_27], %broadcast_in_dim3A_3 {strides = array<i32>} : memref<2x32xf32, #tpu.memory_space<vmem>>, vector<16xf32>,
    %swap3A_29 = arith.constant 1 : i32
    %swap3A_30 = arith.index_cast %swap3A_29 : i32 to index
    %swap3A_31 = arith.constant 0 : index
    %swap3A_32 = tpu.vector_load %arg27[%swap3A_30, %swap3A_31] {strides = array<i32>} : memref<2x32xf32, #tpu.memory_space<vmem>>, vector<16xf32>,
    tpu.vector_store %arg27[%swap3A_30, %swap3A_31], %broadcast_in_dim3A_3 {strides = array<i32>} : memref<2x32xf32, #tpu.memory_space<vmem>>, vector<16xf32>,
    %swap3A_33 = arith.constant 1 : i32
    %swap3A_34 = arith.index_cast %swap3A_33 : i32 to index
    %swap3A_35 = arith.constant 16 : index
    %swap3A_36 = tpu.vector_load %arg26[%swap3A_34, %swap3A_35] {strides = array<i32>} : memref<2x32xf32, #tpu.memory_space<vmem>>, vector<16xf32>,
    tpu.vector_store %arg26[%swap3A_34, %swap3A_35], %broadcast_in_dim3A_3 {strides = array<i32>} : memref<2x32xf32, #tpu.memory_space<vmem>>, vector<16xf32>,
    %swap3A_37 = arith.constant 1 : i32
    %swap3A_38 = arith.index_cast %swap3A_37 : i32 to index
    %swap3A_39 = arith.constant 16 : index
    %swap3A_40 = tpu.vector_load %arg27[%swap3A_38, %swap3A_39] {strides = array<i32>} : memref<2x32xf32, #tpu.memory_space<vmem>>, vector<16xf32>,
    tpu.vector_store %arg27[%swap3A_38, %swap3A_39], %broadcast_in_dim3A_3 {strides = array<i32>} : memref<2x32xf32, #tpu.memory_space<vmem>>, vector<16xf32>,
    %swap3A_41 = arith.constant 1 : i32
    %swap3A_42 = arith.index_cast %swap3A_41 : i32 to index
    %swap3A_43 = arith.constant 0 : index
    %swap3A_44 = tpu.vector_load %arg28[%swap3A_42, %swap3A_43] {strides = array<i32>} : memref<2x16xf32, #tpu.memory_space<vmem>>, vector<16xf32>,
    tpu.vector_store %arg28[%swap3A_42, %swap3A_43], %broadcast_in_dim3A_5 {strides = array<i32>} : memref<2x16xf32, #tpu.memory_space<vmem>>, vector<16xf32>,
    %get3A = arith.constant 0 : i32
    %get3A_45 = arith.index_cast %get3A : i32 to index
    %get3A_46 = arith.constant 0 : index
    %get3A_47 = tpu.vector_load %arg25[%get3A_45, %get3A_46] {strides = array<i32>} : memref<2x16xi32, #tpu.memory_space<vmem>>, vector<16xi32>,
    %get3A_48 = arith.constant 1 : i32
    %get3A_49 = arith.index_cast %get3A_48 : i32 to index
    %get3A_50 = arith.constant 0 : index
    %get3A_51 = tpu.vector_load %arg25[%get3A_49, %get3A_50] {strides = array<i32>} : memref<2x16xi32, #tpu.memory_space<vmem>>, vector<16xi32>,
    %slice3A = vector.extract_strided_slice %get3A_47 {offsets = [0], sizes = [1], strides = [1]} : vector<16xi32> to vector<1xi32>
    %squeeze3A = vector.extract %slice3A[0] : i32 from vector<1xi32>
    %slice3A_52 = vector.extract_strided_slice %get3A_51 {offsets = [0], sizes = [1], strides = [1]} : vector<16xi32> to vector<1xi32>
    %squeeze3A_53 = vector.extract %slice3A_52[0] : i32 from vector<1xi32>
    %slice3A_54 = vector.extract_strided_slice %get3A_47 {offsets = [1], sizes = [1], strides = [1]} : vector<16xi32> to vector<1xi32>
    %squeeze3A_55 = vector.extract %slice3A_54[0] : i32 from vector<1xi32>
    %slice3A_56 = vector.extract_strided_slice %get3A_51 {offsets = [1], sizes = [1], strides = [1]} : vector<16xi32> to vector<1xi32>
    %squeeze3A_57 = vector.extract %slice3A_56[0] : i32 from vector<1xi32>
    %scan3A = arith.constant 0 : i32
    %scan3A_58 = arith.constant 19 : i32
    %scan3A_59 = arith.addi %scan3A, %scan3A_58 : i32
    %scan3A_60 = arith.constant 1 : i32
    scf.for %scan3A_62 = %scan3A to %scan3A_59 step %scan3A_60  : i32 {
      %mul3A_63 = arith.constant 1 : i32
      %mul3A_64 = arith.muli %scan3A_62, %mul3A_63 : i32
      %add3A_65 = arith.constant 0 : i32
      %add3A_66 = arith.addi %add3A_65, %mul3A_64 : i32
      %lt3A = arith.cmpi slt, %add3A_66, %squeeze3A : i32
      %lt3A_67 = arith.cmpi slt, %add3A_66, %squeeze3A_55 : i32
      %get3A_68 = arith.constant 0 : i32
      %get3A_69 = arith.index_cast %get3A_68 : i32 to index
      %get3A_70 = arith.constant 0 : index
      %get3A_71 = tpu.vector_load %arg22[%get3A_69, %get3A_70] {strides = array<i32>} : memref<2x32xf32, #tpu.memory_space<vmem>>, vector<16xf32>,
      %get3A_72 = arith.constant 0 : i32
      %get3A_73 = arith.index_cast %add3A_66 : i32 to index
      %get3A_74 = arith.index_cast %get3A_72 : i32 to index
      %get3A_75 = arith.constant 0 : index
      %get3A_76 = tpu.vector_load %arg18[%get3A_73, %get3A_74, %get3A_75] {strides = array<i32>} : memref<19x2x32xf32, #tpu.memory_space<vmem>>, vector<16xf32>,
      %get3A_77 = arith.constant 0 : i32
      %get3A_78 = arith.index_cast %add3A_66 : i32 to index
      %get3A_79 = arith.index_cast %get3A_77 : i32 to index
      %get3A_80 = arith.constant 0 : index
      %get3A_81 = tpu.vector_load %arg19[%get3A_78, %get3A_79, %get3A_80] {strides = array<i32>} : memref<19x2x32xf32, #tpu.memory_space<vmem>>, vector<16xf32>,
      %get3A_82 = arith.constant 0 : i32
      %get3A_83 = arith.index_cast %add3A_66 : i32 to index
      %get3A_84 = arith.index_cast %get3A_82 : i32 to index
      %get3A_85 = arith.constant 0 : index
      %get3A_86 = tpu.vector_load %arg20[%get3A_83, %get3A_84, %get3A_85] {strides = array<i32>} : memref<19x2x32xf32, #tpu.memory_space<vmem>>, vector<16xf32>,
      %get3A_87 = arith.constant 0 : i32
      %get3A_88 = arith.index_cast %add3A_66 : i32 to index
      %get3A_89 = arith.index_cast %get3A_87 : i32 to index
      %get3A_90 = arith.constant 0 : index
      %get3A_91 = tpu.vector_load %arg21[%get3A_88, %get3A_89, %get3A_90] {strides = array<i32>} : memref<19x2x32xf32, #tpu.memory_space<vmem>>, vector<16xf32>,
      %get3A_92 = arith.constant 0 : i32
      %get3A_93 = arith.index_cast %add3A_66 : i32 to index
      %get3A_94 = arith.index_cast %get3A_92 : i32 to index
      %get3A_95 = arith.constant 0 : index
      %get3A_96 = tpu.vector_load %arg16[%get3A_93, %get3A_94, %get3A_95] {strides = array<i32>} : memref<19x2x32xi32, #tpu.memory_space<vmem>>, vector<16xi32>,
      %get3A_97 = arith.constant 0 : i32
      %get3A_98 = arith.index_cast %add3A_66 : i32 to index
      %get3A_99 = arith.index_cast %get3A_97 : i32 to index
      %get3A_100 = arith.constant 0 : index
      %get3A_101 = tpu.vector_load %arg17[%get3A_98, %get3A_99, %get3A_100] {strides = array<i32>} : memref<19x2x32xi32, #tpu.memory_space<vmem>>, vector<16xi32>,
      %sub3A = arith.subf %get3A_86, %get3A_71 : vector<16xf32>
      %mul3A_102 = arith.constant 5.000000e-01 : f32
      %mul3A_103 = vector.broadcast %mul3A_102 : f32 to vector<16xf32>
      %mul3A_104 = arith.mulf %sub3A, %mul3A_103 : vector<16xf32>
      %add3A_105 = arith.addf %mul3A_104, %get3A_76 : vector<16xf32>
      %sub3A_106 = arith.subf %get3A_91, %get3A_71 : vector<16xf32>
      %mul3A_107 = arith.constant 5.000000e-01 : f32
      %mul3A_108 = vector.broadcast %mul3A_107 : f32 to vector<16xf32>
      %mul3A_109 = arith.mulf %sub3A_106, %mul3A_108 : vector<16xf32>
      %add3A_110 = arith.addf %mul3A_109, %get3A_81 : vector<16xf32>
      %gt3A = arith.cmpf ogt, %add3A_105, %add3A_110 : vector<16xf32>
      %eq3A = arith.cmpf oeq, %add3A_105, %add3A_110 : vector<16xf32>
      %lt3A_111 = arith.cmpi slt, %get3A_96, %get3A_101 : vector<16xi32>
      %and3A = arith.andi %eq3A, %lt3A_111 : vector<16xi1>
      %or3A = arith.ori %gt3A, %and3A : vector<16xi1>
      %select_n3A = arith.select %or3A, %add3A_105, %add3A_110 : vector<16xi1>, vector<16xf32>
      %select_n3A_112 = arith.select %or3A, %get3A_96, %get3A_101 : vector<16xi1>, vector<16xi32>
      %select_n3A_113 = arith.select %or3A, %get3A_86, %get3A_91 : vector<16xi1>, vector<16xf32>
      %get3A_114 = arith.constant 0 : i32
      %get3A_115 = arith.index_cast %get3A_114 : i32 to index
      %get3A_116 = arith.constant 16 : index
      %get3A_117 = tpu.vector_load %arg22[%get3A_115, %get3A_116] {strides = array<i32>} : memref<2x32xf32, #tpu.memory_space<vmem>>, vector<16xf32>,
      %get3A_118 = arith.constant 0 : i32
      %get3A_119 = arith.index_cast %add3A_66 : i32 to index
      %get3A_120 = arith.index_cast %get3A_118 : i32 to index
      %get3A_121 = arith.constant 16 : index
      %get3A_122 = tpu.vector_load %arg18[%get3A_119, %get3A_120, %get3A_121] {strides = array<i32>} : memref<19x2x32xf32, #tpu.memory_space<vmem>>, vector<16xf32>,
      %get3A_123 = arith.constant 0 : i32
      %get3A_124 = arith.index_cast %add3A_66 : i32 to index
      %get3A_125 = arith.index_cast %get3A_123 : i32 to index
      %get3A_126 = arith.constant 16 : index
      %get3A_127 = tpu.vector_load %arg19[%get3A_124, %get3A_125, %get3A_126] {strides = array<i32>} : memref<19x2x32xf32, #tpu.memory_space<vmem>>, vector<16xf32>,
      %get3A_128 = arith.constant 0 : i32
      %get3A_129 = arith.index_cast %add3A_66 : i32 to index
      %get3A_130 = arith.index_cast %get3A_128 : i32 to index
      %get3A_131 = arith.constant 16 : index
      %get3A_132 = tpu.vector_load %arg20[%get3A_129, %get3A_130, %get3A_131] {strides = array<i32>} : memref<19x2x32xf32, #tpu.memory_space<vmem>>, vector<16xf32>,
      %get3A_133 = arith.constant 0 : i32
      %get3A_134 = arith.index_cast %add3A_66 : i32 to index
      %get3A_135 = arith.index_cast %get3A_133 : i32 to index
      %get3A_136 = arith.constant 16 : index
      %get3A_137 = tpu.vector_load %arg21[%get3A_134, %get3A_135, %get3A_136] {strides = array<i32>} : memref<19x2x32xf32, #tpu.memory_space<vmem>>, vector<16xf32>,
      %get3A_138 = arith.constant 0 : i32
      %get3A_139 = arith.index_cast %add3A_66 : i32 to index
      %get3A_140 = arith.index_cast %get3A_138 : i32 to index
      %get3A_141 = arith.constant 16 : index
      %get3A_142 = tpu.vector_load %arg16[%get3A_139, %get3A_140, %get3A_141] {strides = array<i32>} : memref<19x2x32xi32, #tpu.memory_space<vmem>>, vector<16xi32>,
      %get3A_143 = arith.constant 0 : i32
      %get3A_144 = arith.index_cast %add3A_66 : i32 to index
      %get3A_145 = arith.index_cast %get3A_143 : i32 to index
      %get3A_146 = arith.constant 16 : index
      %get3A_147 = tpu.vector_load %arg17[%get3A_144, %get3A_145, %get3A_146] {strides = array<i32>} : memref<19x2x32xi32, #tpu.memory_space<vmem>>, vector<16xi32>,
      %sub3A_148 = arith.subf %get3A_132, %get3A_117 : vector<16xf32>
      %mul3A_149 = arith.constant 5.000000e-01 : f32
      %mul3A_150 = vector.broadcast %mul3A_149 : f32 to vector<16xf32>
      %mul3A_151 = arith.mulf %sub3A_148, %mul3A_150 : vector<16xf32>
      %add3A_152 = arith.addf %mul3A_151, %get3A_122 : vector<16xf32>
      %sub3A_153 = arith.subf %get3A_137, %get3A_117 : vector<16xf32>
      %mul3A_154 = arith.constant 5.000000e-01 : f32
      %mul3A_155 = vector.broadcast %mul3A_154 : f32 to vector<16xf32>
      %mul3A_156 = arith.mulf %sub3A_153, %mul3A_155 : vector<16xf32>
      %add3A_157 = arith.addf %mul3A_156, %get3A_127 : vector<16xf32>
      %gt3A_158 = arith.cmpf ogt, %add3A_152, %add3A_157 : vector<16xf32>
      %eq3A_159 = arith.cmpf oeq, %add3A_152, %add3A_157 : vector<16xf32>
      %lt3A_160 = arith.cmpi slt, %get3A_142, %get3A_147 : vector<16xi32>
      %and3A_161 = arith.andi %eq3A_159, %lt3A_160 : vector<16xi1>
      %or3A_162 = arith.ori %gt3A_158, %and3A_161 : vector<16xi1>
      %select_n3A_163 = arith.select %or3A_162, %add3A_152, %add3A_157 : vector<16xi1>, vector<16xf32>
      %select_n3A_164 = arith.select %or3A_162, %get3A_142, %get3A_147 : vector<16xi1>, vector<16xi32>
      %select_n3A_165 = arith.select %or3A_162, %get3A_132, %get3A_137 : vector<16xi1>, vector<16xf32>
      %reduce_max3A = arith.constant true
      %reduce_max3A_166 = vector.broadcast %reduce_max3A : i1 to vector<16xi1>
      %reduce_max3A_167 = tpu.scan <max>, %select_n3A masked %reduce_max3A_166 : vector<16xf32>, vector<16xi1> -> vector<16xf32>
      %reduce_max3A_168 = vector.extract %reduce_max3A_167[15] : f32 from vector<16xf32>
      %reduce_max3A_169 = arith.constant true
      %reduce_max3A_170 = vector.broadcast %reduce_max3A_169 : i1 to vector<16xi1>
      %reduce_max3A_171 = tpu.scan <max>, %select_n3A_163 masked %reduce_max3A_170 : vector<16xf32>, vector<16xi1> -> vector<16xf32>
      %reduce_max3A_172 = vector.extract %reduce_max3A_171[15] : f32 from vector<16xf32>
      %max3A = arith.maximumf %reduce_max3A_168, %reduce_max3A_172 : f32
      %eq3A_173 = vector.broadcast %max3A : f32 to vector<16xf32>
      %eq3A_174 = arith.cmpf oeq, %select_n3A, %eq3A_173 : vector<16xf32>
      %jit3A = arith.constant 999 : i32
      %broadcast_in_dim3A_175 = vector.broadcast %jit3A : i32 to vector<16xi32>
      %select_n3A_176 = arith.select %eq3A_174, %iota3A, %broadcast_in_dim3A_175 : vector<16xi1>, vector<16xi32>
      %reduce_min3A = arith.constant true
      %reduce_min3A_177 = vector.broadcast %reduce_min3A : i1 to vector<16xi1>
      %reduce_min3A_178 = arith.constant -2147483648 : i32
      %reduce_min3A_179 = vector.broadcast %reduce_min3A_178 : i32 to vector<16xi32>
      %reduce_min3A_180 = arith.xori %select_n3A_176, %reduce_min3A_179 : vector<16xi32>
      %reduce_min3A_181 = tpu.scan <min>, %reduce_min3A_180 masked %reduce_min3A_177 : vector<16xi32>, vector<16xi1> -> vector<16xi32>
      %reduce_min3A_182 = arith.xori %reduce_min3A_181, %reduce_min3A_179 : vector<16xi32>
      %reduce_min3A_183 = vector.extract %reduce_min3A_182[15] : i32 from vector<16xi32>
      %eq3A_184 = vector.broadcast %max3A : f32 to vector<16xf32>
      %eq3A_185 = arith.cmpf oeq, %select_n3A_163, %eq3A_184 : vector<16xf32>
      %add3A_186 = arith.constant 16 : i32
      %add3A_187 = vector.broadcast %add3A_186 : i32 to vector<16xi32>
      %add3A_188 = arith.addi %iota3A, %add3A_187 : vector<16xi32>
      %jit3A_189 = arith.constant 999 : i32
      %broadcast_in_dim3A_190 = vector.broadcast %jit3A_189 : i32 to vector<16xi32>
      %select_n3A_191 = arith.select %eq3A_185, %add3A_188, %broadcast_in_dim3A_190 : vector<16xi1>, vector<16xi32>
      %reduce_min3A_192 = arith.constant true
      %reduce_min3A_193 = vector.broadcast %reduce_min3A_192 : i1 to vector<16xi1>
      %reduce_min3A_194 = arith.constant -2147483648 : i32
      %reduce_min3A_195 = vector.broadcast %reduce_min3A_194 : i32 to vector<16xi32>
      %reduce_min3A_196 = arith.xori %select_n3A_191, %reduce_min3A_195 : vector<16xi32>
      %reduce_min3A_197 = tpu.scan <min>, %reduce_min3A_196 masked %reduce_min3A_193 : vector<16xi32>, vector<16xi1> -> vector<16xi32>
      %reduce_min3A_198 = arith.xori %reduce_min3A_197, %reduce_min3A_195 : vector<16xi32>
      %reduce_min3A_199 = vector.extract %reduce_min3A_198[15] : i32 from vector<16xi32>
      %min3A = arith.minsi %reduce_min3A_183, %reduce_min3A_199 : i32
      %add3A_200 = arith.constant 0 : i32
      %add3A_201 = vector.broadcast %add3A_200 : i32 to vector<16xi32>
      %add3A_202 = arith.addi %iota3A, %add3A_201 : vector<16xi32>
      %eq3A_203 = vector.broadcast %min3A : i32 to vector<16xi32>
      %eq3A_204 = arith.cmpi eq, %add3A_202, %eq3A_203 : vector<16xi32>
      %jit3A_205 = arith.constant 0 : i32
      %broadcast_in_dim3A_206 = vector.broadcast %jit3A_205 : i32 to vector<16xi32>
      %select_n3A_207 = arith.select %eq3A_204, %select_n3A_112, %broadcast_in_dim3A_206 : vector<16xi1>, vector<16xi32>
      %reduce_sum3A = arith.constant true
      %reduce_sum3A_208 = vector.broadcast %reduce_sum3A : i1 to vector<16xi1>
      %reduce_sum3A_209 = tpu.scan <sum>, %select_n3A_207 masked %reduce_sum3A_208 : vector<16xi32>, vector<16xi1> -> vector<16xi32>
      %reduce_sum3A_210 = vector.extract %reduce_sum3A_209[15] : i32 from vector<16xi32>
      %add3A_211 = arith.constant 0 : i32
      %add3A_212 = arith.addi %add3A_211, %reduce_sum3A_210 : i32
      %jit3A_213 = arith.constant 0.000000e+00 : f32
      %broadcast_in_dim3A_214 = vector.broadcast %jit3A_213 : f32 to vector<16xf32>
      %select_n3A_215 = arith.select %eq3A_204, %select_n3A_113, %broadcast_in_dim3A_214 : vector<16xi1>, vector<16xf32>
      %reduce_sum3A_216 = arith.constant true
      %reduce_sum3A_217 = vector.broadcast %reduce_sum3A_216 : i1 to vector<16xi1>
      %reduce_sum3A_218 = tpu.scan <sum>, %select_n3A_215 masked %reduce_sum3A_217 : vector<16xf32>, vector<16xi1> -> vector<16xf32>
      %reduce_sum3A_219 = vector.extract %reduce_sum3A_218[15] : f32 from vector<16xf32>
      %add3A_220 = arith.constant 0.000000e+00 : f32
      %add3A_221 = arith.addf %add3A_220, %reduce_sum3A_219 : f32
      %jit3A_222 = arith.constant 0.000000e+00 : f32
      %broadcast_in_dim3A_223 = vector.broadcast %jit3A_222 : f32 to vector<16xf32>
      %select_n3A_224 = arith.select %eq3A_204, %get3A_71, %broadcast_in_dim3A_223 : vector<16xi1>, vector<16xf32>
      %reduce_sum3A_225 = arith.constant true
      %reduce_sum3A_226 = vector.broadcast %reduce_sum3A_225 : i1 to vector<16xi1>
      %reduce_sum3A_227 = tpu.scan <sum>, %select_n3A_224 masked %reduce_sum3A_226 : vector<16xf32>, vector<16xi1> -> vector<16xf32>
      %reduce_sum3A_228 = vector.extract %reduce_sum3A_227[15] : f32 from vector<16xf32>
      %add3A_229 = arith.constant 0.000000e+00 : f32
      %add3A_230 = arith.addf %add3A_229, %reduce_sum3A_228 : f32
      %get3A_231 = arith.constant 0 : index
      %get3A_232 = tpu.vector_load %arg24[%get3A_231] {strides = array<i32>} : memref<32xf32, #tpu.memory_space<vmem>>, vector<16xf32>,
      %mul3A_233 = arith.constant -5.000000e-01 : f32
      %mul3A_234 = vector.broadcast %mul3A_233 : f32 to vector<16xf32>
      %mul3A_235 = arith.mulf %get3A_71, %mul3A_234 : vector<16xf32>
      %exp3A = math.exp %mul3A_235 : vector<16xf32>
      %mul3A_236 = arith.mulf %get3A_232, %exp3A : vector<16xf32>
      %reduce_sum3A_237 = arith.constant true
      %reduce_sum3A_238 = vector.broadcast %reduce_sum3A_237 : i1 to vector<16xi1>
      %reduce_sum3A_239 = tpu.scan <sum>, %mul3A_236 masked %reduce_sum3A_238 : vector<16xf32>, vector<16xi1> -> vector<16xf32>
      %reduce_sum3A_240 = vector.extract %reduce_sum3A_239[15] : f32 from vector<16xf32>
      %add3A_241 = arith.constant 0.000000e+00 : f32
      %add3A_242 = arith.addf %add3A_241, %reduce_sum3A_240 : f32
      %add3A_243 = arith.constant 16 : i32
      %add3A_244 = vector.broadcast %add3A_243 : i32 to vector<16xi32>
      %add3A_245 = arith.addi %iota3A, %add3A_244 : vector<16xi32>
      %eq3A_246 = vector.broadcast %min3A : i32 to vector<16xi32>
      %eq3A_247 = arith.cmpi eq, %add3A_245, %eq3A_246 : vector<16xi32>
      %jit3A_248 = arith.constant 0 : i32
      %broadcast_in_dim3A_249 = vector.broadcast %jit3A_248 : i32 to vector<16xi32>
      %select_n3A_250 = arith.select %eq3A_247, %select_n3A_164, %broadcast_in_dim3A_249 : vector<16xi1>, vector<16xi32>
      %reduce_sum3A_251 = arith.constant true
      %reduce_sum3A_252 = vector.broadcast %reduce_sum3A_251 : i1 to vector<16xi1>
      %reduce_sum3A_253 = tpu.scan <sum>, %select_n3A_250 masked %reduce_sum3A_252 : vector<16xi32>, vector<16xi1> -> vector<16xi32>
      %reduce_sum3A_254 = vector.extract %reduce_sum3A_253[15] : i32 from vector<16xi32>
      %add3A_255 = arith.addi %add3A_212, %reduce_sum3A_254 : i32
      %jit3A_256 = arith.constant 0.000000e+00 : f32
      %broadcast_in_dim3A_257 = vector.broadcast %jit3A_256 : f32 to vector<16xf32>
      %select_n3A_258 = arith.select %eq3A_247, %select_n3A_165, %broadcast_in_dim3A_257 : vector<16xi1>, vector<16xf32>
      %reduce_sum3A_259 = arith.constant true
      %reduce_sum3A_260 = vector.broadcast %reduce_sum3A_259 : i1 to vector<16xi1>
      %reduce_sum3A_261 = tpu.scan <sum>, %select_n3A_258 masked %reduce_sum3A_260 : vector<16xf32>, vector<16xi1> -> vector<16xf32>
      %reduce_sum3A_262 = vector.extract %reduce_sum3A_261[15] : f32 from vector<16xf32>
      %add3A_263 = arith.addf %add3A_221, %reduce_sum3A_262 : f32
      %jit3A_264 = arith.constant 0.000000e+00 : f32
      %broadcast_in_dim3A_265 = vector.broadcast %jit3A_264 : f32 to vector<16xf32>
      %select_n3A_266 = arith.select %eq3A_247, %get3A_117, %broadcast_in_dim3A_265 : vector<16xi1>, vector<16xf32>
      %reduce_sum3A_267 = arith.constant true
      %reduce_sum3A_268 = vector.broadcast %reduce_sum3A_267 : i1 to vector<16xi1>
      %reduce_sum3A_269 = tpu.scan <sum>, %select_n3A_266 masked %reduce_sum3A_268 : vector<16xf32>, vector<16xi1> -> vector<16xf32>
      %reduce_sum3A_270 = vector.extract %reduce_sum3A_269[15] : f32 from vector<16xf32>
      %add3A_271 = arith.addf %add3A_230, %reduce_sum3A_270 : f32
      %get3A_272 = arith.constant 16 : index
      %get3A_273 = tpu.vector_load %arg24[%get3A_272] {strides = array<i32>} : memref<32xf32, #tpu.memory_space<vmem>>, vector<16xf32>,
      %mul3A_274 = arith.constant -5.000000e-01 : f32
      %mul3A_275 = vector.broadcast %mul3A_274 : f32 to vector<16xf32>
      %mul3A_276 = arith.mulf %get3A_117, %mul3A_275 : vector<16xf32>
      %exp3A_277 = math.exp %mul3A_276 : vector<16xf32>
      %mul3A_278 = arith.mulf %get3A_273, %exp3A_277 : vector<16xf32>
      %reduce_sum3A_279 = arith.constant true
      %reduce_sum3A_280 = vector.broadcast %reduce_sum3A_279 : i1 to vector<16xi1>
      %reduce_sum3A_281 = tpu.scan <sum>, %mul3A_278 masked %reduce_sum3A_280 : vector<16xf32>, vector<16xi1> -> vector<16xf32>
      %reduce_sum3A_282 = vector.extract %reduce_sum3A_281[15] : f32 from vector<16xf32>
      %add3A_283 = arith.addf %add3A_242, %reduce_sum3A_282 : f32
      %sub3A_284 = arith.subf %add3A_263, %add3A_271 : f32
      %mul3A_285 = arith.constant 5.000000e-01 : f32
      %mul3A_286 = arith.mulf %sub3A_284, %mul3A_285 : f32
      %jit3A_287 = arith.constant 1.000000e+00 : f32
      %select_n3A_288 = arith.select %lt3A, %add3A_283, %jit3A_287 : f32
      %add3A_289 = arith.constant 0 : i32
      %add3A_290 = vector.broadcast %add3A_289 : i32 to vector<16xi32>
      %add3A_291 = arith.addi %iota3A, %add3A_290 : vector<16xi32>
      %eq3A_292 = vector.broadcast %min3A : i32 to vector<16xi32>
      %eq3A_293 = arith.cmpi eq, %add3A_291, %eq3A_292 : vector<16xi32>
      %and3A_294 = vector.broadcast %lt3A : i1 to vector<16xi1>
      %and3A_295 = arith.andi %eq3A_293, %and3A_294 : vector<16xi1>
      %broadcast_in_dim3A_296 = vector.broadcast %add3A_263 : f32 to vector<16xf32>
      %select_n3A_297 = arith.select %and3A_295, %broadcast_in_dim3A_296, %get3A_71 : vector<16xi1>, vector<16xf32>
      %get3A_298 = arith.constant 0 : i32
      %get3A_299 = arith.index_cast %get3A_298 : i32 to index
      %get3A_300 = arith.constant 0 : index
      %get3A_301 = tpu.vector_load %arg23[%get3A_299, %get3A_300] {strides = array<i32>} : memref<2x32xi32, #tpu.memory_space<vmem>>, vector<16xi32>,
      %broadcast_in_dim3A_302 = vector.broadcast %add3A_255 : i32 to vector<16xi32>
      %select_n3A_303 = arith.select %and3A_295, %broadcast_in_dim3A_302, %get3A_301 : vector<16xi1>, vector<16xi32>
      %swap3A_304 = arith.constant 0 : i32
      %swap3A_305 = arith.index_cast %swap3A_304 : i32 to index
      %swap3A_306 = arith.constant 0 : index
      %swap3A_307 = tpu.vector_load %arg22[%swap3A_305, %swap3A_306] {strides = array<i32>} : memref<2x32xf32, #tpu.memory_space<vmem>>, vector<16xf32>,
      tpu.vector_store %arg22[%swap3A_305, %swap3A_306], %select_n3A_297 {strides = array<i32>} : memref<2x32xf32, #tpu.memory_space<vmem>>, vector<16xf32>,
      %swap3A_308 = arith.constant 0 : i32
      %swap3A_309 = arith.index_cast %swap3A_308 : i32 to index
      %swap3A_310 = arith.constant 0 : index
      %swap3A_311 = tpu.vector_load %arg23[%swap3A_309, %swap3A_310] {strides = array<i32>} : memref<2x32xi32, #tpu.memory_space<vmem>>, vector<16xi32>,
      tpu.vector_store %arg23[%swap3A_309, %swap3A_310], %select_n3A_303 {strides = array<i32>} : memref<2x32xi32, #tpu.memory_space<vmem>>, vector<16xi32>,
      %get3A_312 = arith.constant 0 : index
      %get3A_313 = tpu.vector_load %arg24[%get3A_312] {strides = array<i32>} : memref<32xf32, #tpu.memory_space<vmem>>, vector<16xf32>,
      %mul3A_314 = arith.constant -5.000000e-01 : f32
      %mul3A_315 = vector.broadcast %mul3A_314 : f32 to vector<16xf32>
      %mul3A_316 = arith.mulf %select_n3A_297, %mul3A_315 : vector<16xf32>
      %exp3A_317 = math.exp %mul3A_316 : vector<16xf32>
      %mul3A_318 = arith.mulf %get3A_313, %exp3A_317 : vector<16xf32>
      %reduce_sum3A_319 = arith.constant true
      %reduce_sum3A_320 = vector.broadcast %reduce_sum3A_319 : i1 to vector<16xi1>
      %reduce_sum3A_321 = tpu.scan <sum>, %mul3A_318 masked %reduce_sum3A_320 : vector<16xf32>, vector<16xi1> -> vector<16xf32>
      %reduce_sum3A_322 = vector.extract %reduce_sum3A_321[15] : f32 from vector<16xf32>
      %add3A_323 = arith.constant 0.000000e+00 : f32
      %add3A_324 = arith.addf %add3A_323, %reduce_sum3A_322 : f32
      %add3A_325 = arith.constant 16 : i32
      %add3A_326 = vector.broadcast %add3A_325 : i32 to vector<16xi32>
      %add3A_327 = arith.addi %iota3A, %add3A_326 : vector<16xi32>
      %eq3A_328 = vector.broadcast %min3A : i32 to vector<16xi32>
      %eq3A_329 = arith.cmpi eq, %add3A_327, %eq3A_328 : vector<16xi32>
      %and3A_330 = vector.broadcast %lt3A : i1 to vector<16xi1>
      %and3A_331 = arith.andi %eq3A_329, %and3A_330 : vector<16xi1>
      %broadcast_in_dim3A_332 = vector.broadcast %add3A_263 : f32 to vector<16xf32>
      %select_n3A_333 = arith.select %and3A_331, %broadcast_in_dim3A_332, %get3A_117 : vector<16xi1>, vector<16xf32>
      %get3A_334 = arith.constant 0 : i32
      %get3A_335 = arith.index_cast %get3A_334 : i32 to index
      %get3A_336 = arith.constant 16 : index
      %get3A_337 = tpu.vector_load %arg23[%get3A_335, %get3A_336] {strides = array<i32>} : memref<2x32xi32, #tpu.memory_space<vmem>>, vector<16xi32>,
      %broadcast_in_dim3A_338 = vector.broadcast %add3A_255 : i32 to vector<16xi32>
      %select_n3A_339 = arith.select %and3A_331, %broadcast_in_dim3A_338, %get3A_337 : vector<16xi1>, vector<16xi32>
      %swap3A_340 = arith.constant 0 : i32
      %swap3A_341 = arith.index_cast %swap3A_340 : i32 to index
      %swap3A_342 = arith.constant 16 : index
      %swap3A_343 = tpu.vector_load %arg22[%swap3A_341, %swap3A_342] {strides = array<i32>} : memref<2x32xf32, #tpu.memory_space<vmem>>, vector<16xf32>,
      tpu.vector_store %arg22[%swap3A_341, %swap3A_342], %select_n3A_333 {strides = array<i32>} : memref<2x32xf32, #tpu.memory_space<vmem>>, vector<16xf32>,
      %swap3A_344 = arith.constant 0 : i32
      %swap3A_345 = arith.index_cast %swap3A_344 : i32 to index
      %swap3A_346 = arith.constant 16 : index
      %swap3A_347 = tpu.vector_load %arg23[%swap3A_345, %swap3A_346] {strides = array<i32>} : memref<2x32xi32, #tpu.memory_space<vmem>>, vector<16xi32>,
      tpu.vector_store %arg23[%swap3A_345, %swap3A_346], %select_n3A_339 {strides = array<i32>} : memref<2x32xi32, #tpu.memory_space<vmem>>, vector<16xi32>,
      %get3A_348 = arith.constant 16 : index
      %get3A_349 = tpu.vector_load %arg24[%get3A_348] {strides = array<i32>} : memref<32xf32, #tpu.memory_space<vmem>>, vector<16xf32>,
      %mul3A_350 = arith.constant -5.000000e-01 : f32
      %mul3A_351 = vector.broadcast %mul3A_350 : f32 to vector<16xf32>
      %mul3A_352 = arith.mulf %select_n3A_333, %mul3A_351 : vector<16xf32>
      %exp3A_353 = math.exp %mul3A_352 : vector<16xf32>
      %mul3A_354 = arith.mulf %get3A_349, %exp3A_353 : vector<16xf32>
      %reduce_sum3A_355 = arith.constant true
      %reduce_sum3A_356 = vector.broadcast %reduce_sum3A_355 : i1 to vector<16xi1>
      %reduce_sum3A_357 = tpu.scan <sum>, %mul3A_354 masked %reduce_sum3A_356 : vector<16xf32>, vector<16xi1> -> vector<16xf32>
      %reduce_sum3A_358 = vector.extract %reduce_sum3A_357[15] : f32 from vector<16xf32>
      %add3A_359 = arith.addf %add3A_324, %reduce_sum3A_358 : f32
      %jit3A_360 = arith.constant 0.000000e+00 : f32
      %select_n3A_361 = arith.select %lt3A, %jit3A_360, %mul3A_286 : f32
      %jit3A_362 = arith.constant 1.000000e+00 : f32
      %select_n3A_363 = arith.select %lt3A_67, %add3A_359, %jit3A_362 : f32
      %add3A_364 = arith.constant 0 : i32
      %add3A_365 = vector.broadcast %add3A_364 : i32 to vector<16xi32>
      %add3A_366 = arith.addi %iota3A, %add3A_365 : vector<16xi32>
      %eq3A_367 = vector.broadcast %add3A_66 : i32 to vector<16xi32>
      %eq3A_368 = arith.cmpi eq, %add3A_366, %eq3A_367 : vector<16xi32>
      %get3A_369 = arith.constant 0 : i32
      %get3A_370 = arith.index_cast %get3A_369 : i32 to index
      %get3A_371 = arith.constant 0 : index
      %get3A_372 = tpu.vector_load %arg26[%get3A_370, %get3A_371] {strides = array<i32>} : memref<2x32xf32, #tpu.memory_space<vmem>>, vector<16xf32>,
      %broadcast_in_dim3A_373 = vector.broadcast %select_n3A_288 : f32 to vector<16xf32>
      %select_n3A_374 = arith.select %eq3A_368, %broadcast_in_dim3A_373, %get3A_372 : vector<16xi1>, vector<16xf32>
      %swap3A_375 = arith.constant 0 : i32
      %swap3A_376 = arith.index_cast %swap3A_375 : i32 to index
      %swap3A_377 = arith.constant 0 : index
      %swap3A_378 = tpu.vector_load %arg26[%swap3A_376, %swap3A_377] {strides = array<i32>} : memref<2x32xf32, #tpu.memory_space<vmem>>, vector<16xf32>,
      tpu.vector_store %arg26[%swap3A_376, %swap3A_377], %select_n3A_374 {strides = array<i32>} : memref<2x32xf32, #tpu.memory_space<vmem>>, vector<16xf32>,
      %get3A_379 = arith.constant 0 : i32
      %get3A_380 = arith.index_cast %get3A_379 : i32 to index
      %get3A_381 = arith.constant 0 : index
      %get3A_382 = tpu.vector_load %arg27[%get3A_380, %get3A_381] {strides = array<i32>} : memref<2x32xf32, #tpu.memory_space<vmem>>, vector<16xf32>,
      %broadcast_in_dim3A_383 = vector.broadcast %select_n3A_363 : f32 to vector<16xf32>
      %select_n3A_384 = arith.select %eq3A_368, %broadcast_in_dim3A_383, %get3A_382 : vector<16xi1>, vector<16xf32>
      %swap3A_385 = arith.constant 0 : i32
      %swap3A_386 = arith.index_cast %swap3A_385 : i32 to index
      %swap3A_387 = arith.constant 0 : index
      %swap3A_388 = tpu.vector_load %arg27[%swap3A_386, %swap3A_387] {strides = array<i32>} : memref<2x32xf32, #tpu.memory_space<vmem>>, vector<16xf32>,
      tpu.vector_store %arg27[%swap3A_386, %swap3A_387], %select_n3A_384 {strides = array<i32>} : memref<2x32xf32, #tpu.memory_space<vmem>>, vector<16xf32>,
      %add3A_389 = arith.constant 16 : i32
      %add3A_390 = vector.broadcast %add3A_389 : i32 to vector<16xi32>
      %add3A_391 = arith.addi %iota3A, %add3A_390 : vector<16xi32>
      %eq3A_392 = vector.broadcast %add3A_66 : i32 to vector<16xi32>
      %eq3A_393 = arith.cmpi eq, %add3A_391, %eq3A_392 : vector<16xi32>
      %get3A_394 = arith.constant 0 : i32
      %get3A_395 = arith.index_cast %get3A_394 : i32 to index
      %get3A_396 = arith.constant 16 : index
      %get3A_397 = tpu.vector_load %arg26[%get3A_395, %get3A_396] {strides = array<i32>} : memref<2x32xf32, #tpu.memory_space<vmem>>, vector<16xf32>,
      %broadcast_in_dim3A_398 = vector.broadcast %select_n3A_288 : f32 to vector<16xf32>
      %select_n3A_399 = arith.select %eq3A_393, %broadcast_in_dim3A_398, %get3A_397 : vector<16xi1>, vector<16xf32>
      %swap3A_400 = arith.constant 0 : i32
      %swap3A_401 = arith.index_cast %swap3A_400 : i32 to index
      %swap3A_402 = arith.constant 16 : index
      %swap3A_403 = tpu.vector_load %arg26[%swap3A_401, %swap3A_402] {strides = array<i32>} : memref<2x32xf32, #tpu.memory_space<vmem>>, vector<16xf32>,
      tpu.vector_store %arg26[%swap3A_401, %swap3A_402], %select_n3A_399 {strides = array<i32>} : memref<2x32xf32, #tpu.memory_space<vmem>>, vector<16xf32>,
      %get3A_404 = arith.constant 0 : i32
      %get3A_405 = arith.index_cast %get3A_404 : i32 to index
      %get3A_406 = arith.constant 16 : index
      %get3A_407 = tpu.vector_load %arg27[%get3A_405, %get3A_406] {strides = array<i32>} : memref<2x32xf32, #tpu.memory_space<vmem>>, vector<16xf32>,
      %broadcast_in_dim3A_408 = vector.broadcast %select_n3A_363 : f32 to vector<16xf32>
      %select_n3A_409 = arith.select %eq3A_393, %broadcast_in_dim3A_408, %get3A_407 : vector<16xi1>, vector<16xf32>
      %swap3A_410 = arith.constant 0 : i32
      %swap3A_411 = arith.index_cast %swap3A_410 : i32 to index
      %swap3A_412 = arith.constant 16 : index
      %swap3A_413 = tpu.vector_load %arg27[%swap3A_411, %swap3A_412] {strides = array<i32>} : memref<2x32xf32, #tpu.memory_space<vmem>>, vector<16xf32>,
      tpu.vector_store %arg27[%swap3A_411, %swap3A_412], %select_n3A_409 {strides = array<i32>} : memref<2x32xf32, #tpu.memory_space<vmem>>, vector<16xf32>,
      %get3A_414 = arith.constant 0 : i32
      %get3A_415 = arith.index_cast %get3A_414 : i32 to index
      %get3A_416 = arith.constant 0 : index
      %get3A_417 = tpu.vector_load %arg28[%get3A_415, %get3A_416] {strides = array<i32>} : memref<2x16xf32, #tpu.memory_space<vmem>>, vector<16xf32>,
      %eq3A_418 = arith.constant 0 : i32
      %eq3A_419 = vector.broadcast %eq3A_418 : i32 to vector<16xi32>
      %eq3A_420 = arith.cmpi eq, %iota3A, %eq3A_419 : vector<16xi32>
      %jit3A_421 = arith.constant 0.000000e+00 : f32
      %select_n3A_422 = arith.select %lt3A, %mul3A_286, %jit3A_421 : f32
      %jit3A_423 = arith.constant 0.000000e+00 : f32
      %broadcast_in_dim3A_424 = vector.broadcast %select_n3A_422 : f32 to vector<16xf32>
      %broadcast_in_dim3A_425 = vector.broadcast %jit3A_423 : f32 to vector<16xf32>
      %select_n3A_426 = arith.select %eq3A_420, %broadcast_in_dim3A_424, %broadcast_in_dim3A_425 : vector<16xi1>, vector<16xf32>
      %eq3A_427 = arith.constant 1 : i32
      %eq3A_428 = vector.broadcast %eq3A_427 : i32 to vector<16xi32>
      %eq3A_429 = arith.cmpi eq, %iota3A, %eq3A_428 : vector<16xi32>
      %jit3A_430 = arith.constant 0.000000e+00 : f32
      %select_n3A_431 = arith.select %lt3A_67, %select_n3A_361, %jit3A_430 : f32
      %jit3A_432 = arith.constant 0.000000e+00 : f32
      %broadcast_in_dim3A_433 = vector.broadcast %select_n3A_431 : f32 to vector<16xf32>
      %broadcast_in_dim3A_434 = vector.broadcast %jit3A_432 : f32 to vector<16xf32>
      %select_n3A_435 = arith.select %eq3A_429, %broadcast_in_dim3A_433, %broadcast_in_dim3A_434 : vector<16xi1>, vector<16xf32>
      %add3A_436 = arith.addf %select_n3A_426, %select_n3A_435 : vector<16xf32>
      %add3A_437 = arith.addf %get3A_417, %add3A_436 : vector<16xf32>
      %swap3A_438 = arith.constant 0 : i32
      %swap3A_439 = arith.index_cast %swap3A_438 : i32 to index
      %swap3A_440 = arith.constant 0 : index
      %swap3A_441 = tpu.vector_load %arg28[%swap3A_439, %swap3A_440] {strides = array<i32>} : memref<2x16xf32, #tpu.memory_space<vmem>>, vector<16xf32>,
      tpu.vector_store %arg28[%swap3A_439, %swap3A_440], %add3A_437 {strides = array<i32>} : memref<2x16xf32, #tpu.memory_space<vmem>>, vector<16xf32>,
      %lt3A_442 = arith.cmpi slt, %add3A_66, %squeeze3A_53 : i32
      %lt3A_443 = arith.cmpi slt, %add3A_66, %squeeze3A_57 : i32
      %get3A_444 = arith.constant 1 : i32
      %get3A_445 = arith.index_cast %get3A_444 : i32 to index
      %get3A_446 = arith.constant 0 : index
      %get3A_447 = tpu.vector_load %arg22[%get3A_445, %get3A_446] {strides = array<i32>} : memref<2x32xf32, #tpu.memory_space<vmem>>, vector<16xf32>,
      %get3A_448 = arith.constant 1 : i32
      %get3A_449 = arith.index_cast %add3A_66 : i32 to index
      %get3A_450 = arith.index_cast %get3A_448 : i32 to index
      %get3A_451 = arith.constant 0 : index
      %get3A_452 = tpu.vector_load %arg18[%get3A_449, %get3A_450, %get3A_451] {strides = array<i32>} : memref<19x2x32xf32, #tpu.memory_space<vmem>>, vector<16xf32>,
      %get3A_453 = arith.constant 1 : i32
      %get3A_454 = arith.index_cast %add3A_66 : i32 to index
      %get3A_455 = arith.index_cast %get3A_453 : i32 to index
      %get3A_456 = arith.constant 0 : index
      %get3A_457 = tpu.vector_load %arg19[%get3A_454, %get3A_455, %get3A_456] {strides = array<i32>} : memref<19x2x32xf32, #tpu.memory_space<vmem>>, vector<16xf32>,
      %get3A_458 = arith.constant 1 : i32
      %get3A_459 = arith.index_cast %add3A_66 : i32 to index
      %get3A_460 = arith.index_cast %get3A_458 : i32 to index
      %get3A_461 = arith.constant 0 : index
      %get3A_462 = tpu.vector_load %arg20[%get3A_459, %get3A_460, %get3A_461] {strides = array<i32>} : memref<19x2x32xf32, #tpu.memory_space<vmem>>, vector<16xf32>,
      %get3A_463 = arith.constant 1 : i32
      %get3A_464 = arith.index_cast %add3A_66 : i32 to index
      %get3A_465 = arith.index_cast %get3A_463 : i32 to index
      %get3A_466 = arith.constant 0 : index
      %get3A_467 = tpu.vector_load %arg21[%get3A_464, %get3A_465, %get3A_466] {strides = array<i32>} : memref<19x2x32xf32, #tpu.memory_space<vmem>>, vector<16xf32>,
      %get3A_468 = arith.constant 1 : i32
      %get3A_469 = arith.index_cast %add3A_66 : i32 to index
      %get3A_470 = arith.index_cast %get3A_468 : i32 to index
      %get3A_471 = arith.constant 0 : index
      %get3A_472 = tpu.vector_load %arg16[%get3A_469, %get3A_470, %get3A_471] {strides = array<i32>} : memref<19x2x32xi32, #tpu.memory_space<vmem>>, vector<16xi32>,
      %get3A_473 = arith.constant 1 : i32
      %get3A_474 = arith.index_cast %add3A_66 : i32 to index
      %get3A_475 = arith.index_cast %get3A_473 : i32 to index
      %get3A_476 = arith.constant 0 : index
      %get3A_477 = tpu.vector_load %arg17[%get3A_474, %get3A_475, %get3A_476] {strides = array<i32>} : memref<19x2x32xi32, #tpu.memory_space<vmem>>, vector<16xi32>,
      %sub3A_478 = arith.subf %get3A_462, %get3A_447 : vector<16xf32>
      %mul3A_479 = arith.constant 5.000000e-01 : f32
      %mul3A_480 = vector.broadcast %mul3A_479 : f32 to vector<16xf32>
      %mul3A_481 = arith.mulf %sub3A_478, %mul3A_480 : vector<16xf32>
      %add3A_482 = arith.addf %mul3A_481, %get3A_452 : vector<16xf32>
      %sub3A_483 = arith.subf %get3A_467, %get3A_447 : vector<16xf32>
      %mul3A_484 = arith.constant 5.000000e-01 : f32
      %mul3A_485 = vector.broadcast %mul3A_484 : f32 to vector<16xf32>
      %mul3A_486 = arith.mulf %sub3A_483, %mul3A_485 : vector<16xf32>
      %add3A_487 = arith.addf %mul3A_486, %get3A_457 : vector<16xf32>
      %gt3A_488 = arith.cmpf ogt, %add3A_482, %add3A_487 : vector<16xf32>
      %eq3A_489 = arith.cmpf oeq, %add3A_482, %add3A_487 : vector<16xf32>
      %lt3A_490 = arith.cmpi slt, %get3A_472, %get3A_477 : vector<16xi32>
      %and3A_491 = arith.andi %eq3A_489, %lt3A_490 : vector<16xi1>
      %or3A_492 = arith.ori %gt3A_488, %and3A_491 : vector<16xi1>
      %select_n3A_493 = arith.select %or3A_492, %add3A_482, %add3A_487 : vector<16xi1>, vector<16xf32>
      %select_n3A_494 = arith.select %or3A_492, %get3A_472, %get3A_477 : vector<16xi1>, vector<16xi32>
      %select_n3A_495 = arith.select %or3A_492, %get3A_462, %get3A_467 : vector<16xi1>, vector<16xf32>
      %get3A_496 = arith.constant 1 : i32
      %get3A_497 = arith.index_cast %get3A_496 : i32 to index
      %get3A_498 = arith.constant 16 : index
      %get3A_499 = tpu.vector_load %arg22[%get3A_497, %get3A_498] {strides = array<i32>} : memref<2x32xf32, #tpu.memory_space<vmem>>, vector<16xf32>,
      %get3A_500 = arith.constant 1 : i32
      %get3A_501 = arith.index_cast %add3A_66 : i32 to index
      %get3A_502 = arith.index_cast %get3A_500 : i32 to index
      %get3A_503 = arith.constant 16 : index
      %get3A_504 = tpu.vector_load %arg18[%get3A_501, %get3A_502, %get3A_503] {strides = array<i32>} : memref<19x2x32xf32, #tpu.memory_space<vmem>>, vector<16xf32>,
      %get3A_505 = arith.constant 1 : i32
      %get3A_506 = arith.index_cast %add3A_66 : i32 to index
      %get3A_507 = arith.index_cast %get3A_505 : i32 to index
      %get3A_508 = arith.constant 16 : index
      %get3A_509 = tpu.vector_load %arg19[%get3A_506, %get3A_507, %get3A_508] {strides = array<i32>} : memref<19x2x32xf32, #tpu.memory_space<vmem>>, vector<16xf32>,
      %get3A_510 = arith.constant 1 : i32
      %get3A_511 = arith.index_cast %add3A_66 : i32 to index
      %get3A_512 = arith.index_cast %get3A_510 : i32 to index
      %get3A_513 = arith.constant 16 : index
      %get3A_514 = tpu.vector_load %arg20[%get3A_511, %get3A_512, %get3A_513] {strides = array<i32>} : memref<19x2x32xf32, #tpu.memory_space<vmem>>, vector<16xf32>,
      %get3A_515 = arith.constant 1 : i32
      %get3A_516 = arith.index_cast %add3A_66 : i32 to index
      %get3A_517 = arith.index_cast %get3A_515 : i32 to index
      %get3A_518 = arith.constant 16 : index
      %get3A_519 = tpu.vector_load %arg21[%get3A_516, %get3A_517, %get3A_518] {strides = array<i32>} : memref<19x2x32xf32, #tpu.memory_space<vmem>>, vector<16xf32>,
      %get3A_520 = arith.constant 1 : i32
      %get3A_521 = arith.index_cast %add3A_66 : i32 to index
      %get3A_522 = arith.index_cast %get3A_520 : i32 to index
      %get3A_523 = arith.constant 16 : index
      %get3A_524 = tpu.vector_load %arg16[%get3A_521, %get3A_522, %get3A_523] {strides = array<i32>} : memref<19x2x32xi32, #tpu.memory_space<vmem>>, vector<16xi32>,
      %get3A_525 = arith.constant 1 : i32
      %get3A_526 = arith.index_cast %add3A_66 : i32 to index
      %get3A_527 = arith.index_cast %get3A_525 : i32 to index
      %get3A_528 = arith.constant 16 : index
      %get3A_529 = tpu.vector_load %arg17[%get3A_526, %get3A_527, %get3A_528] {strides = array<i32>} : memref<19x2x32xi32, #tpu.memory_space<vmem>>, vector<16xi32>,
      %sub3A_530 = arith.subf %get3A_514, %get3A_499 : vector<16xf32>
      %mul3A_531 = arith.constant 5.000000e-01 : f32
      %mul3A_532 = vector.broadcast %mul3A_531 : f32 to vector<16xf32>
      %mul3A_533 = arith.mulf %sub3A_530, %mul3A_532 : vector<16xf32>
      %add3A_534 = arith.addf %mul3A_533, %get3A_504 : vector<16xf32>
      %sub3A_535 = arith.subf %get3A_519, %get3A_499 : vector<16xf32>
      %mul3A_536 = arith.constant 5.000000e-01 : f32
      %mul3A_537 = vector.broadcast %mul3A_536 : f32 to vector<16xf32>
      %mul3A_538 = arith.mulf %sub3A_535, %mul3A_537 : vector<16xf32>
      %add3A_539 = arith.addf %mul3A_538, %get3A_509 : vector<16xf32>
      %gt3A_540 = arith.cmpf ogt, %add3A_534, %add3A_539 : vector<16xf32>
      %eq3A_541 = arith.cmpf oeq, %add3A_534, %add3A_539 : vector<16xf32>
      %lt3A_542 = arith.cmpi slt, %get3A_524, %get3A_529 : vector<16xi32>
      %and3A_543 = arith.andi %eq3A_541, %lt3A_542 : vector<16xi1>
      %or3A_544 = arith.ori %gt3A_540, %and3A_543 : vector<16xi1>
      %select_n3A_545 = arith.select %or3A_544, %add3A_534, %add3A_539 : vector<16xi1>, vector<16xf32>
      %select_n3A_546 = arith.select %or3A_544, %get3A_524, %get3A_529 : vector<16xi1>, vector<16xi32>
      %select_n3A_547 = arith.select %or3A_544, %get3A_514, %get3A_519 : vector<16xi1>, vector<16xf32>
      %reduce_max3A_548 = arith.constant true
      %reduce_max3A_549 = vector.broadcast %reduce_max3A_548 : i1 to vector<16xi1>
      %reduce_max3A_550 = tpu.scan <max>, %select_n3A_493 masked %reduce_max3A_549 : vector<16xf32>, vector<16xi1> -> vector<16xf32>
      %reduce_max3A_551 = vector.extract %reduce_max3A_550[15] : f32 from vector<16xf32>
      %reduce_max3A_552 = arith.constant true
      %reduce_max3A_553 = vector.broadcast %reduce_max3A_552 : i1 to vector<16xi1>
      %reduce_max3A_554 = tpu.scan <max>, %select_n3A_545 masked %reduce_max3A_553 : vector<16xf32>, vector<16xi1> -> vector<16xf32>
      %reduce_max3A_555 = vector.extract %reduce_max3A_554[15] : f32 from vector<16xf32>
      %max3A_556 = arith.maximumf %reduce_max3A_551, %reduce_max3A_555 : f32
      %eq3A_557 = vector.broadcast %max3A_556 : f32 to vector<16xf32>
      %eq3A_558 = arith.cmpf oeq, %select_n3A_493, %eq3A_557 : vector<16xf32>
      %jit3A_559 = arith.constant 999 : i32
      %broadcast_in_dim3A_560 = vector.broadcast %jit3A_559 : i32 to vector<16xi32>
      %select_n3A_561 = arith.select %eq3A_558, %iota3A, %broadcast_in_dim3A_560 : vector<16xi1>, vector<16xi32>
      %reduce_min3A_562 = arith.constant true
      %reduce_min3A_563 = vector.broadcast %reduce_min3A_562 : i1 to vector<16xi1>
      %reduce_min3A_564 = arith.constant -2147483648 : i32
      %reduce_min3A_565 = vector.broadcast %reduce_min3A_564 : i32 to vector<16xi32>
      %reduce_min3A_566 = arith.xori %select_n3A_561, %reduce_min3A_565 : vector<16xi32>
      %reduce_min3A_567 = tpu.scan <min>, %reduce_min3A_566 masked %reduce_min3A_563 : vector<16xi32>, vector<16xi1> -> vector<16xi32>
      %reduce_min3A_568 = arith.xori %reduce_min3A_567, %reduce_min3A_565 : vector<16xi32>
      %reduce_min3A_569 = vector.extract %reduce_min3A_568[15] : i32 from vector<16xi32>
      %eq3A_570 = vector.broadcast %max3A_556 : f32 to vector<16xf32>
      %eq3A_571 = arith.cmpf oeq, %select_n3A_545, %eq3A_570 : vector<16xf32>
      %add3A_572 = arith.constant 16 : i32
      %add3A_573 = vector.broadcast %add3A_572 : i32 to vector<16xi32>
      %add3A_574 = arith.addi %iota3A, %add3A_573 : vector<16xi32>
      %jit3A_575 = arith.constant 999 : i32
      %broadcast_in_dim3A_576 = vector.broadcast %jit3A_575 : i32 to vector<16xi32>
      %select_n3A_577 = arith.select %eq3A_571, %add3A_574, %broadcast_in_dim3A_576 : vector<16xi1>, vector<16xi32>
      %reduce_min3A_578 = arith.constant true
      %reduce_min3A_579 = vector.broadcast %reduce_min3A_578 : i1 to vector<16xi1>
      %reduce_min3A_580 = arith.constant -2147483648 : i32
      %reduce_min3A_581 = vector.broadcast %reduce_min3A_580 : i32 to vector<16xi32>
      %reduce_min3A_582 = arith.xori %select_n3A_577, %reduce_min3A_581 : vector<16xi32>
      %reduce_min3A_583 = tpu.scan <min>, %reduce_min3A_582 masked %reduce_min3A_579 : vector<16xi32>, vector<16xi1> -> vector<16xi32>
      %reduce_min3A_584 = arith.xori %reduce_min3A_583, %reduce_min3A_581 : vector<16xi32>
      %reduce_min3A_585 = vector.extract %reduce_min3A_584[15] : i32 from vector<16xi32>
      %min3A_586 = arith.minsi %reduce_min3A_569, %reduce_min3A_585 : i32
      %add3A_587 = arith.constant 0 : i32
      %add3A_588 = vector.broadcast %add3A_587 : i32 to vector<16xi32>
      %add3A_589 = arith.addi %iota3A, %add3A_588 : vector<16xi32>
      %eq3A_590 = vector.broadcast %min3A_586 : i32 to vector<16xi32>
      %eq3A_591 = arith.cmpi eq, %add3A_589, %eq3A_590 : vector<16xi32>
      %jit3A_592 = arith.constant 0 : i32
      %broadcast_in_dim3A_593 = vector.broadcast %jit3A_592 : i32 to vector<16xi32>
      %select_n3A_594 = arith.select %eq3A_591, %select_n3A_494, %broadcast_in_dim3A_593 : vector<16xi1>, vector<16xi32>
      %reduce_sum3A_595 = arith.constant true
      %reduce_sum3A_596 = vector.broadcast %reduce_sum3A_595 : i1 to vector<16xi1>
      %reduce_sum3A_597 = tpu.scan <sum>, %select_n3A_594 masked %reduce_sum3A_596 : vector<16xi32>, vector<16xi1> -> vector<16xi32>
      %reduce_sum3A_598 = vector.extract %reduce_sum3A_597[15] : i32 from vector<16xi32>
      %add3A_599 = arith.constant 0 : i32
      %add3A_600 = arith.addi %add3A_599, %reduce_sum3A_598 : i32
      %jit3A_601 = arith.constant 0.000000e+00 : f32
      %broadcast_in_dim3A_602 = vector.broadcast %jit3A_601 : f32 to vector<16xf32>
      %select_n3A_603 = arith.select %eq3A_591, %select_n3A_495, %broadcast_in_dim3A_602 : vector<16xi1>, vector<16xf32>
      %reduce_sum3A_604 = arith.constant true
      %reduce_sum3A_605 = vector.broadcast %reduce_sum3A_604 : i1 to vector<16xi1>
      %reduce_sum3A_606 = tpu.scan <sum>, %select_n3A_603 masked %reduce_sum3A_605 : vector<16xf32>, vector<16xi1> -> vector<16xf32>
      %reduce_sum3A_607 = vector.extract %reduce_sum3A_606[15] : f32 from vector<16xf32>
      %add3A_608 = arith.constant 0.000000e+00 : f32
      %add3A_609 = arith.addf %add3A_608, %reduce_sum3A_607 : f32
      %jit3A_610 = arith.constant 0.000000e+00 : f32
      %broadcast_in_dim3A_611 = vector.broadcast %jit3A_610 : f32 to vector<16xf32>
      %select_n3A_612 = arith.select %eq3A_591, %get3A_447, %broadcast_in_dim3A_611 : vector<16xi1>, vector<16xf32>
      %reduce_sum3A_613 = arith.constant true
      %reduce_sum3A_614 = vector.broadcast %reduce_sum3A_613 : i1 to vector<16xi1>
      %reduce_sum3A_615 = tpu.scan <sum>, %select_n3A_612 masked %reduce_sum3A_614 : vector<16xf32>, vector<16xi1> -> vector<16xf32>
      %reduce_sum3A_616 = vector.extract %reduce_sum3A_615[15] : f32 from vector<16xf32>
      %add3A_617 = arith.constant 0.000000e+00 : f32
      %add3A_618 = arith.addf %add3A_617, %reduce_sum3A_616 : f32
      %get3A_619 = arith.constant 0 : index
      %get3A_620 = tpu.vector_load %arg24[%get3A_619] {strides = array<i32>} : memref<32xf32, #tpu.memory_space<vmem>>, vector<16xf32>,
      %mul3A_621 = arith.constant -5.000000e-01 : f32
      %mul3A_622 = vector.broadcast %mul3A_621 : f32 to vector<16xf32>
      %mul3A_623 = arith.mulf %get3A_447, %mul3A_622 : vector<16xf32>
      %exp3A_624 = math.exp %mul3A_623 : vector<16xf32>
      %mul3A_625 = arith.mulf %get3A_620, %exp3A_624 : vector<16xf32>
      %reduce_sum3A_626 = arith.constant true
      %reduce_sum3A_627 = vector.broadcast %reduce_sum3A_626 : i1 to vector<16xi1>
      %reduce_sum3A_628 = tpu.scan <sum>, %mul3A_625 masked %reduce_sum3A_627 : vector<16xf32>, vector<16xi1> -> vector<16xf32>
      %reduce_sum3A_629 = vector.extract %reduce_sum3A_628[15] : f32 from vector<16xf32>
      %add3A_630 = arith.constant 0.000000e+00 : f32
      %add3A_631 = arith.addf %add3A_630, %reduce_sum3A_629 : f32
      %add3A_632 = arith.constant 16 : i32
      %add3A_633 = vector.broadcast %add3A_632 : i32 to vector<16xi32>
      %add3A_634 = arith.addi %iota3A, %add3A_633 : vector<16xi32>
      %eq3A_635 = vector.broadcast %min3A_586 : i32 to vector<16xi32>
      %eq3A_636 = arith.cmpi eq, %add3A_634, %eq3A_635 : vector<16xi32>
      %jit3A_637 = arith.constant 0 : i32
      %broadcast_in_dim3A_638 = vector.broadcast %jit3A_637 : i32 to vector<16xi32>
      %select_n3A_639 = arith.select %eq3A_636, %select_n3A_546, %broadcast_in_dim3A_638 : vector<16xi1>, vector<16xi32>
      %reduce_sum3A_640 = arith.constant true
      %reduce_sum3A_641 = vector.broadcast %reduce_sum3A_640 : i1 to vector<16xi1>
      %reduce_sum3A_642 = tpu.scan <sum>, %select_n3A_639 masked %reduce_sum3A_641 : vector<16xi32>, vector<16xi1> -> vector<16xi32>
      %reduce_sum3A_643 = vector.extract %reduce_sum3A_642[15] : i32 from vector<16xi32>
      %add3A_644 = arith.addi %add3A_600, %reduce_sum3A_643 : i32
      %jit3A_645 = arith.constant 0.000000e+00 : f32
      %broadcast_in_dim3A_646 = vector.broadcast %jit3A_645 : f32 to vector<16xf32>
      %select_n3A_647 = arith.select %eq3A_636, %select_n3A_547, %broadcast_in_dim3A_646 : vector<16xi1>, vector<16xf32>
      %reduce_sum3A_648 = arith.constant true
      %reduce_sum3A_649 = vector.broadcast %reduce_sum3A_648 : i1 to vector<16xi1>
      %reduce_sum3A_650 = tpu.scan <sum>, %select_n3A_647 masked %reduce_sum3A_649 : vector<16xf32>, vector<16xi1> -> vector<16xf32>
      %reduce_sum3A_651 = vector.extract %reduce_sum3A_650[15] : f32 from vector<16xf32>
      %add3A_652 = arith.addf %add3A_609, %reduce_sum3A_651 : f32
      %jit3A_653 = arith.constant 0.000000e+00 : f32
      %broadcast_in_dim3A_654 = vector.broadcast %jit3A_653 : f32 to vector<16xf32>
      %select_n3A_655 = arith.select %eq3A_636, %get3A_499, %broadcast_in_dim3A_654 : vector<16xi1>, vector<16xf32>
      %reduce_sum3A_656 = arith.constant true
      %reduce_sum3A_657 = vector.broadcast %reduce_sum3A_656 : i1 to vector<16xi1>
      %reduce_sum3A_658 = tpu.scan <sum>, %select_n3A_655 masked %reduce_sum3A_657 : vector<16xf32>, vector<16xi1> -> vector<16xf32>
      %reduce_sum3A_659 = vector.extract %reduce_sum3A_658[15] : f32 from vector<16xf32>
      %add3A_660 = arith.addf %add3A_618, %reduce_sum3A_659 : f32
      %get3A_661 = arith.constant 16 : index
      %get3A_662 = tpu.vector_load %arg24[%get3A_661] {strides = array<i32>} : memref<32xf32, #tpu.memory_space<vmem>>, vector<16xf32>,
      %mul3A_663 = arith.constant -5.000000e-01 : f32
      %mul3A_664 = vector.broadcast %mul3A_663 : f32 to vector<16xf32>
      %mul3A_665 = arith.mulf %get3A_499, %mul3A_664 : vector<16xf32>
      %exp3A_666 = math.exp %mul3A_665 : vector<16xf32>
      %mul3A_667 = arith.mulf %get3A_662, %exp3A_666 : vector<16xf32>
      %reduce_sum3A_668 = arith.constant true
      %reduce_sum3A_669 = vector.broadcast %reduce_sum3A_668 : i1 to vector<16xi1>
      %reduce_sum3A_670 = tpu.scan <sum>, %mul3A_667 masked %reduce_sum3A_669 : vector<16xf32>, vector<16xi1> -> vector<16xf32>
      %reduce_sum3A_671 = vector.extract %reduce_sum3A_670[15] : f32 from vector<16xf32>
      %add3A_672 = arith.addf %add3A_631, %reduce_sum3A_671 : f32
      %sub3A_673 = arith.subf %add3A_652, %add3A_660 : f32
      %mul3A_674 = arith.constant 5.000000e-01 : f32
      %mul3A_675 = arith.mulf %sub3A_673, %mul3A_674 : f32
      %jit3A_676 = arith.constant 1.000000e+00 : f32
      %select_n3A_677 = arith.select %lt3A_442, %add3A_672, %jit3A_676 : f32
      %add3A_678 = arith.constant 0 : i32
      %add3A_679 = vector.broadcast %add3A_678 : i32 to vector<16xi32>
      %add3A_680 = arith.addi %iota3A, %add3A_679 : vector<16xi32>
      %eq3A_681 = vector.broadcast %min3A_586 : i32 to vector<16xi32>
      %eq3A_682 = arith.cmpi eq, %add3A_680, %eq3A_681 : vector<16xi32>
      %and3A_683 = vector.broadcast %lt3A_442 : i1 to vector<16xi1>
      %and3A_684 = arith.andi %eq3A_682, %and3A_683 : vector<16xi1>
      %broadcast_in_dim3A_685 = vector.broadcast %add3A_652 : f32 to vector<16xf32>
      %select_n3A_686 = arith.select %and3A_684, %broadcast_in_dim3A_685, %get3A_447 : vector<16xi1>, vector<16xf32>
      %get3A_687 = arith.constant 1 : i32
      %get3A_688 = arith.index_cast %get3A_687 : i32 to index
      %get3A_689 = arith.constant 0 : index
      %get3A_690 = tpu.vector_load %arg23[%get3A_688, %get3A_689] {strides = array<i32>} : memref<2x32xi32, #tpu.memory_space<vmem>>, vector<16xi32>,
      %broadcast_in_dim3A_691 = vector.broadcast %add3A_644 : i32 to vector<16xi32>
      %select_n3A_692 = arith.select %and3A_684, %broadcast_in_dim3A_691, %get3A_690 : vector<16xi1>, vector<16xi32>
      %swap3A_693 = arith.constant 1 : i32
      %swap3A_694 = arith.index_cast %swap3A_693 : i32 to index
      %swap3A_695 = arith.constant 0 : index
      %swap3A_696 = tpu.vector_load %arg22[%swap3A_694, %swap3A_695] {strides = array<i32>} : memref<2x32xf32, #tpu.memory_space<vmem>>, vector<16xf32>,
      tpu.vector_store %arg22[%swap3A_694, %swap3A_695], %select_n3A_686 {strides = array<i32>} : memref<2x32xf32, #tpu.memory_space<vmem>>, vector<16xf32>,
      %swap3A_697 = arith.constant 1 : i32
      %swap3A_698 = arith.index_cast %swap3A_697 : i32 to index
      %swap3A_699 = arith.constant 0 : index
      %swap3A_700 = tpu.vector_load %arg23[%swap3A_698, %swap3A_699] {strides = array<i32>} : memref<2x32xi32, #tpu.memory_space<vmem>>, vector<16xi32>,
      tpu.vector_store %arg23[%swap3A_698, %swap3A_699], %select_n3A_692 {strides = array<i32>} : memref<2x32xi32, #tpu.memory_space<vmem>>, vector<16xi32>,
      %get3A_701 = arith.constant 0 : index
      %get3A_702 = tpu.vector_load %arg24[%get3A_701] {strides = array<i32>} : memref<32xf32, #tpu.memory_space<vmem>>, vector<16xf32>,
      %mul3A_703 = arith.constant -5.000000e-01 : f32
      %mul3A_704 = vector.broadcast %mul3A_703 : f32 to vector<16xf32>
      %mul3A_705 = arith.mulf %select_n3A_686, %mul3A_704 : vector<16xf32>
      %exp3A_706 = math.exp %mul3A_705 : vector<16xf32>
      %mul3A_707 = arith.mulf %get3A_702, %exp3A_706 : vector<16xf32>
      %reduce_sum3A_708 = arith.constant true
      %reduce_sum3A_709 = vector.broadcast %reduce_sum3A_708 : i1 to vector<16xi1>
      %reduce_sum3A_710 = tpu.scan <sum>, %mul3A_707 masked %reduce_sum3A_709 : vector<16xf32>, vector<16xi1> -> vector<16xf32>
      %reduce_sum3A_711 = vector.extract %reduce_sum3A_710[15] : f32 from vector<16xf32>
      %add3A_712 = arith.constant 0.000000e+00 : f32
      %add3A_713 = arith.addf %add3A_712, %reduce_sum3A_711 : f32
      %add3A_714 = arith.constant 16 : i32
      %add3A_715 = vector.broadcast %add3A_714 : i32 to vector<16xi32>
      %add3A_716 = arith.addi %iota3A, %add3A_715 : vector<16xi32>
      %eq3A_717 = vector.broadcast %min3A_586 : i32 to vector<16xi32>
      %eq3A_718 = arith.cmpi eq, %add3A_716, %eq3A_717 : vector<16xi32>
      %and3A_719 = vector.broadcast %lt3A_442 : i1 to vector<16xi1>
      %and3A_720 = arith.andi %eq3A_718, %and3A_719 : vector<16xi1>
      %broadcast_in_dim3A_721 = vector.broadcast %add3A_652 : f32 to vector<16xf32>
      %select_n3A_722 = arith.select %and3A_720, %broadcast_in_dim3A_721, %get3A_499 : vector<16xi1>, vector<16xf32>
      %get3A_723 = arith.constant 1 : i32
      %get3A_724 = arith.index_cast %get3A_723 : i32 to index
      %get3A_725 = arith.constant 16 : index
      %get3A_726 = tpu.vector_load %arg23[%get3A_724, %get3A_725] {strides = array<i32>} : memref<2x32xi32, #tpu.memory_space<vmem>>, vector<16xi32>,
      %broadcast_in_dim3A_727 = vector.broadcast %add3A_644 : i32 to vector<16xi32>
      %select_n3A_728 = arith.select %and3A_720, %broadcast_in_dim3A_727, %get3A_726 : vector<16xi1>, vector<16xi32>
      %swap3A_729 = arith.constant 1 : i32
      %swap3A_730 = arith.index_cast %swap3A_729 : i32 to index
      %swap3A_731 = arith.constant 16 : index
      %swap3A_732 = tpu.vector_load %arg22[%swap3A_730, %swap3A_731] {strides = array<i32>} : memref<2x32xf32, #tpu.memory_space<vmem>>, vector<16xf32>,
      tpu.vector_store %arg22[%swap3A_730, %swap3A_731], %select_n3A_722 {strides = array<i32>} : memref<2x32xf32, #tpu.memory_space<vmem>>, vector<16xf32>,
      %swap3A_733 = arith.constant 1 : i32
      %swap3A_734 = arith.index_cast %swap3A_733 : i32 to index
      %swap3A_735 = arith.constant 16 : index
      %swap3A_736 = tpu.vector_load %arg23[%swap3A_734, %swap3A_735] {strides = array<i32>} : memref<2x32xi32, #tpu.memory_space<vmem>>, vector<16xi32>,
      tpu.vector_store %arg23[%swap3A_734, %swap3A_735], %select_n3A_728 {strides = array<i32>} : memref<2x32xi32, #tpu.memory_space<vmem>>, vector<16xi32>,
      %get3A_737 = arith.constant 16 : index
      %get3A_738 = tpu.vector_load %arg24[%get3A_737] {strides = array<i32>} : memref<32xf32, #tpu.memory_space<vmem>>, vector<16xf32>,
      %mul3A_739 = arith.constant -5.000000e-01 : f32
      %mul3A_740 = vector.broadcast %mul3A_739 : f32 to vector<16xf32>
      %mul3A_741 = arith.mulf %select_n3A_722, %mul3A_740 : vector<16xf32>
      %exp3A_742 = math.exp %mul3A_741 : vector<16xf32>
      %mul3A_743 = arith.mulf %get3A_738, %exp3A_742 : vector<16xf32>
      %reduce_sum3A_744 = arith.constant true
      %reduce_sum3A_745 = vector.broadcast %reduce_sum3A_744 : i1 to vector<16xi1>
      %reduce_sum3A_746 = tpu.scan <sum>, %mul3A_743 masked %reduce_sum3A_745 : vector<16xf32>, vector<16xi1> -> vector<16xf32>
      %reduce_sum3A_747 = vector.extract %reduce_sum3A_746[15] : f32 from vector<16xf32>
      %add3A_748 = arith.addf %add3A_713, %reduce_sum3A_747 : f32
      %jit3A_749 = arith.constant 0.000000e+00 : f32
      %select_n3A_750 = arith.select %lt3A_442, %jit3A_749, %mul3A_675 : f32
      %jit3A_751 = arith.constant 1.000000e+00 : f32
      %select_n3A_752 = arith.select %lt3A_443, %add3A_748, %jit3A_751 : f32
      %add3A_753 = arith.constant 0 : i32
      %add3A_754 = vector.broadcast %add3A_753 : i32 to vector<16xi32>
      %add3A_755 = arith.addi %iota3A, %add3A_754 : vector<16xi32>
      %eq3A_756 = vector.broadcast %add3A_66 : i32 to vector<16xi32>
      %eq3A_757 = arith.cmpi eq, %add3A_755, %eq3A_756 : vector<16xi32>
      %get3A_758 = arith.constant 1 : i32
      %get3A_759 = arith.index_cast %get3A_758 : i32 to index
      %get3A_760 = arith.constant 0 : index
      %get3A_761 = tpu.vector_load %arg26[%get3A_759, %get3A_760] {strides = array<i32>} : memref<2x32xf32, #tpu.memory_space<vmem>>, vector<16xf32>,
      %broadcast_in_dim3A_762 = vector.broadcast %select_n3A_677 : f32 to vector<16xf32>
      %select_n3A_763 = arith.select %eq3A_757, %broadcast_in_dim3A_762, %get3A_761 : vector<16xi1>, vector<16xf32>
      %swap3A_764 = arith.constant 1 : i32
      %swap3A_765 = arith.index_cast %swap3A_764 : i32 to index
      %swap3A_766 = arith.constant 0 : index
      %swap3A_767 = tpu.vector_load %arg26[%swap3A_765, %swap3A_766] {strides = array<i32>} : memref<2x32xf32, #tpu.memory_space<vmem>>, vector<16xf32>,
      tpu.vector_store %arg26[%swap3A_765, %swap3A_766], %select_n3A_763 {strides = array<i32>} : memref<2x32xf32, #tpu.memory_space<vmem>>, vector<16xf32>,
      %get3A_768 = arith.constant 1 : i32
      %get3A_769 = arith.index_cast %get3A_768 : i32 to index
      %get3A_770 = arith.constant 0 : index
      %get3A_771 = tpu.vector_load %arg27[%get3A_769, %get3A_770] {strides = array<i32>} : memref<2x32xf32, #tpu.memory_space<vmem>>, vector<16xf32>,
      %broadcast_in_dim3A_772 = vector.broadcast %select_n3A_752 : f32 to vector<16xf32>
      %select_n3A_773 = arith.select %eq3A_757, %broadcast_in_dim3A_772, %get3A_771 : vector<16xi1>, vector<16xf32>
      %swap3A_774 = arith.constant 1 : i32
      %swap3A_775 = arith.index_cast %swap3A_774 : i32 to index
      %swap3A_776 = arith.constant 0 : index
      %swap3A_777 = tpu.vector_load %arg27[%swap3A_775, %swap3A_776] {strides = array<i32>} : memref<2x32xf32, #tpu.memory_space<vmem>>, vector<16xf32>,
      tpu.vector_store %arg27[%swap3A_775, %swap3A_776], %select_n3A_773 {strides = array<i32>} : memref<2x32xf32, #tpu.memory_space<vmem>>, vector<16xf32>,
      %add3A_778 = arith.constant 16 : i32
      %add3A_779 = vector.broadcast %add3A_778 : i32 to vector<16xi32>
      %add3A_780 = arith.addi %iota3A, %add3A_779 : vector<16xi32>
      %eq3A_781 = vector.broadcast %add3A_66 : i32 to vector<16xi32>
      %eq3A_782 = arith.cmpi eq, %add3A_780, %eq3A_781 : vector<16xi32>
      %get3A_783 = arith.constant 1 : i32
      %get3A_784 = arith.index_cast %get3A_783 : i32 to index
      %get3A_785 = arith.constant 16 : index
      %get3A_786 = tpu.vector_load %arg26[%get3A_784, %get3A_785] {strides = array<i32>} : memref<2x32xf32, #tpu.memory_space<vmem>>, vector<16xf32>,
      %broadcast_in_dim3A_787 = vector.broadcast %select_n3A_677 : f32 to vector<16xf32>
      %select_n3A_788 = arith.select %eq3A_782, %broadcast_in_dim3A_787, %get3A_786 : vector<16xi1>, vector<16xf32>
      %swap3A_789 = arith.constant 1 : i32
      %swap3A_790 = arith.index_cast %swap3A_789 : i32 to index
      %swap3A_791 = arith.constant 16 : index
      %swap3A_792 = tpu.vector_load %arg26[%swap3A_790, %swap3A_791] {strides = array<i32>} : memref<2x32xf32, #tpu.memory_space<vmem>>, vector<16xf32>,
      tpu.vector_store %arg26[%swap3A_790, %swap3A_791], %select_n3A_788 {strides = array<i32>} : memref<2x32xf32, #tpu.memory_space<vmem>>, vector<16xf32>,
      %get3A_793 = arith.constant 1 : i32
      %get3A_794 = arith.index_cast %get3A_793 : i32 to index
      %get3A_795 = arith.constant 16 : index
      %get3A_796 = tpu.vector_load %arg27[%get3A_794, %get3A_795] {strides = array<i32>} : memref<2x32xf32, #tpu.memory_space<vmem>>, vector<16xf32>,
      %broadcast_in_dim3A_797 = vector.broadcast %select_n3A_752 : f32 to vector<16xf32>
      %select_n3A_798 = arith.select %eq3A_782, %broadcast_in_dim3A_797, %get3A_796 : vector<16xi1>, vector<16xf32>
      %swap3A_799 = arith.constant 1 : i32
      %swap3A_800 = arith.index_cast %swap3A_799 : i32 to index
      %swap3A_801 = arith.constant 16 : index
      %swap3A_802 = tpu.vector_load %arg27[%swap3A_800, %swap3A_801] {strides = array<i32>} : memref<2x32xf32, #tpu.memory_space<vmem>>, vector<16xf32>,
      tpu.vector_store %arg27[%swap3A_800, %swap3A_801], %select_n3A_798 {strides = array<i32>} : memref<2x32xf32, #tpu.memory_space<vmem>>, vector<16xf32>,
      %get3A_803 = arith.constant 1 : i32
      %get3A_804 = arith.index_cast %get3A_803 : i32 to index
      %get3A_805 = arith.constant 0 : index
      %get3A_806 = tpu.vector_load %arg28[%get3A_804, %get3A_805] {strides = array<i32>} : memref<2x16xf32, #tpu.memory_space<vmem>>, vector<16xf32>,
      %eq3A_807 = arith.constant 0 : i32
      %eq3A_808 = vector.broadcast %eq3A_807 : i32 to vector<16xi32>
      %eq3A_809 = arith.cmpi eq, %iota3A, %eq3A_808 : vector<16xi32>
      %jit3A_810 = arith.constant 0.000000e+00 : f32
      %select_n3A_811 = arith.select %lt3A_442, %mul3A_675, %jit3A_810 : f32
      %jit3A_812 = arith.constant 0.000000e+00 : f32
      %broadcast_in_dim3A_813 = vector.broadcast %select_n3A_811 : f32 to vector<16xf32>
      %broadcast_in_dim3A_814 = vector.broadcast %jit3A_812 : f32 to vector<16xf32>
      %select_n3A_815 = arith.select %eq3A_809, %broadcast_in_dim3A_813, %broadcast_in_dim3A_814 : vector<16xi1>, vector<16xf32>
      %eq3A_816 = arith.constant 1 : i32
      %eq3A_817 = vector.broadcast %eq3A_816 : i32 to vector<16xi32>
      %eq3A_818 = arith.cmpi eq, %iota3A, %eq3A_817 : vector<16xi32>
      %jit3A_819 = arith.constant 0.000000e+00 : f32
      %select_n3A_820 = arith.select %lt3A_443, %select_n3A_750, %jit3A_819 : f32
      %jit3A_821 = arith.constant 0.000000e+00 : f32
      %broadcast_in_dim3A_822 = vector.broadcast %select_n3A_820 : f32 to vector<16xf32>
      %broadcast_in_dim3A_823 = vector.broadcast %jit3A_821 : f32 to vector<16xf32>
      %select_n3A_824 = arith.select %eq3A_818, %broadcast_in_dim3A_822, %broadcast_in_dim3A_823 : vector<16xi1>, vector<16xf32>
      %add3A_825 = arith.addf %select_n3A_815, %select_n3A_824 : vector<16xf32>
      %add3A_826 = arith.addf %get3A_806, %add3A_825 : vector<16xf32>
      %swap3A_827 = arith.constant 1 : i32
      %swap3A_828 = arith.index_cast %swap3A_827 : i32 to index
      %swap3A_829 = arith.constant 0 : index
      %swap3A_830 = tpu.vector_load %arg28[%swap3A_828, %swap3A_829] {strides = array<i32>} : memref<2x16xf32, #tpu.memory_space<vmem>>, vector<16xf32>,
      tpu.vector_store %arg28[%swap3A_828, %swap3A_829], %add3A_826 {strides = array<i32>} : memref<2x16xf32, #tpu.memory_space<vmem>>, vector<16xf32>,
    }
    %scan3A_61 = arith.constant 19 : i32
    "tpu.region"() ({
      %run_scoped3A_62 = tpu.sem_alloc : memref<!tpu.dma_semaphore, #tpu.memory_space<semaphore_mem>>
      %dma_start3A = arith.constant 0 : i32
      %dma_start3A_63 = tpu.memref_slice %arg12[%mul3A_2, %dma_start3A] : memref<64x32xi32, #tpu.memory_space<hbm>> -> memref<2x32xi32, #tpu.memory_space<hbm>>
      %dma_start3A_64 = arith.constant 0 : i32
      %dma_start3A_65 = tpu.memref_slice %arg12[%mul3A_2, %dma_start3A_64] : memref<64x32xi32, #tpu.memory_space<hbm>> -> memref<2x32xi32, #tpu.memory_space<hbm>>
      tpu.enqueue_dma source(%arg23 : memref<2x32xi32, #tpu.memory_space<vmem>>) target(%dma_start3A_65 : memref<2x32xi32, #tpu.memory_space<hbm>>) target_semaphore(%run_scoped3A_62 : memref<!tpu.dma_semaphore, #tpu.memory_space<semaphore_mem>>)
      %dma_wait3A = arith.constant 0 : i32
      %dma_wait3A_66 = tpu.memref_slice %arg12[%mul3A_2, %dma_wait3A] : memref<64x32xi32, #tpu.memory_space<hbm>> -> memref<2x32xi32, #tpu.memory_space<hbm>>
      %dma_wait3A_67 = arith.constant 0 : i32
      %dma_wait3A_68 = tpu.memref_slice %arg12[%mul3A_2, %dma_wait3A_67] : memref<64x32xi32, #tpu.memory_space<hbm>> -> memref<2x32xi32, #tpu.memory_space<hbm>>
      tpu.wait_dma2 semaphore(%run_scoped3A_62 : memref<!tpu.dma_semaphore, #tpu.memory_space<semaphore_mem>>) src(%arg23 : memref<2x32xi32, #tpu.memory_space<vmem>>) dst(%dma_wait3A_68 : memref<2x32xi32, #tpu.memory_space<hbm>>)
      tpu.yield
    }) : () -> ()
    "tpu.region"() ({
      %run_scoped3A_62 = tpu.sem_alloc : memref<!tpu.dma_semaphore, #tpu.memory_space<semaphore_mem>>
      %dma_start3A = arith.constant 0 : i32
      %dma_start3A_63 = tpu.memref_slice %arg13[%mul3A_2, %dma_start3A] : memref<64x32xf32, #tpu.memory_space<hbm>> -> memref<2x32xf32, #tpu.memory_space<hbm>>
      %dma_start3A_64 = arith.constant 0 : i32
      %dma_start3A_65 = tpu.memref_slice %arg13[%mul3A_2, %dma_start3A_64] : memref<64x32xf32, #tpu.memory_space<hbm>> -> memref<2x32xf32, #tpu.memory_space<hbm>>
      tpu.enqueue_dma source(%arg26 : memref<2x32xf32, #tpu.memory_space<vmem>>) target(%dma_start3A_65 : memref<2x32xf32, #tpu.memory_space<hbm>>) target_semaphore(%run_scoped3A_62 : memref<!tpu.dma_semaphore, #tpu.memory_space<semaphore_mem>>)
      %dma_wait3A = arith.constant 0 : i32
      %dma_wait3A_66 = tpu.memref_slice %arg13[%mul3A_2, %dma_wait3A] : memref<64x32xf32, #tpu.memory_space<hbm>> -> memref<2x32xf32, #tpu.memory_space<hbm>>
      %dma_wait3A_67 = arith.constant 0 : i32
      %dma_wait3A_68 = tpu.memref_slice %arg13[%mul3A_2, %dma_wait3A_67] : memref<64x32xf32, #tpu.memory_space<hbm>> -> memref<2x32xf32, #tpu.memory_space<hbm>>
      tpu.wait_dma2 semaphore(%run_scoped3A_62 : memref<!tpu.dma_semaphore, #tpu.memory_space<semaphore_mem>>) src(%arg26 : memref<2x32xf32, #tpu.memory_space<vmem>>) dst(%dma_wait3A_68 : memref<2x32xf32, #tpu.memory_space<hbm>>)
      tpu.yield
    }) : () -> ()
    "tpu.region"() ({
      %run_scoped3A_62 = tpu.sem_alloc : memref<!tpu.dma_semaphore, #tpu.memory_space<semaphore_mem>>
      %dma_start3A = arith.constant 0 : i32
      %dma_start3A_63 = tpu.memref_slice %arg14[%mul3A_2, %dma_start3A] : memref<64x32xf32, #tpu.memory_space<hbm>> -> memref<2x32xf32, #tpu.memory_space<hbm>>
      %dma_start3A_64 = arith.constant 0 : i32
      %dma_start3A_65 = tpu.memref_slice %arg14[%mul3A_2, %dma_start3A_64] : memref<64x32xf32, #tpu.memory_space<hbm>> -> memref<2x32xf32, #tpu.memory_space<hbm>>
      tpu.enqueue_dma source(%arg27 : memref<2x32xf32, #tpu.memory_space<vmem>>) target(%dma_start3A_65 : memref<2x32xf32, #tpu.memory_space<hbm>>) target_semaphore(%run_scoped3A_62 : memref<!tpu.dma_semaphore, #tpu.memory_space<semaphore_mem>>)
      %dma_wait3A = arith.constant 0 : i32
      %dma_wait3A_66 = tpu.memref_slice %arg14[%mul3A_2, %dma_wait3A] : memref<64x32xf32, #tpu.memory_space<hbm>> -> memref<2x32xf32, #tpu.memory_space<hbm>>
      %dma_wait3A_67 = arith.constant 0 : i32
      %dma_wait3A_68 = tpu.memref_slice %arg14[%mul3A_2, %dma_wait3A_67] : memref<64x32xf32, #tpu.memory_space<hbm>> -> memref<2x32xf32, #tpu.memory_space<hbm>>
      tpu.wait_dma2 semaphore(%run_scoped3A_62 : memref<!tpu.dma_semaphore, #tpu.memory_space<semaphore_mem>>) src(%arg27 : memref<2x32xf32, #tpu.memory_space<vmem>>) dst(%dma_wait3A_68 : memref<2x32xf32, #tpu.memory_space<hbm>>)
      tpu.yield
    }) : () -> ()
    "tpu.region"() ({
      %run_scoped3A_62 = tpu.sem_alloc : memref<!tpu.dma_semaphore, #tpu.memory_space<semaphore_mem>>
      %dma_start3A = arith.constant 0 : i32
      %dma_start3A_63 = tpu.memref_slice %arg15[%mul3A_2, %dma_start3A] : memref<64x16xf32, #tpu.memory_space<hbm>> -> memref<2x16xf32, #tpu.memory_space<hbm>>
      %dma_start3A_64 = arith.constant 0 : i32
      %dma_start3A_65 = tpu.memref_slice %arg15[%mul3A_2, %dma_start3A_64] : memref<64x16xf32, #tpu.memory_space<hbm>> -> memref<2x16xf32, #tpu.memory_space<hbm>>
      tpu.enqueue_dma source(%arg28 : memref<2x16xf32, #tpu.memory_space<vmem>>) target(%dma_start3A_65 : memref<2x16xf32, #tpu.memory_space<hbm>>) target_semaphore(%run_scoped3A_62 : memref<!tpu.dma_semaphore, #tpu.memory_space<semaphore_mem>>)
      %dma_wait3A = arith.constant 0 : i32
      %dma_wait3A_66 = tpu.memref_slice %arg15[%mul3A_2, %dma_wait3A] : memref<64x16xf32, #tpu.memory_space<hbm>> -> memref<2x16xf32, #tpu.memory_space<hbm>>
      %dma_wait3A_67 = arith.constant 0 : i32
      %dma_wait3A_68 = tpu.memref_slice %arg15[%mul3A_2, %dma_wait3A_67] : memref<64x16xf32, #tpu.memory_space<hbm>> -> memref<2x16xf32, #tpu.memory_space<hbm>>
      tpu.wait_dma2 semaphore(%run_scoped3A_62 : memref<!tpu.dma_semaphore, #tpu.memory_space<semaphore_mem>>) src(%arg28 : memref<2x16xf32, #tpu.memory_space<vmem>>) dst(%dma_wait3A_68 : memref<2x16xf32, #tpu.memory_space<hbm>>)
      tpu.yield
    }) : () -> ()
    return
  }
}

module attributes {stable_mosaic.version = 14 : i64} {
  func.func @_prep_body(%arg0: memref<64x32x256xf32, #tpu.memory_space<vmem>>, %arg1: memref<32x256xf32, #tpu.memory_space<vmem>>, %arg2: memref<8x32xf32, #tpu.memory_space<vmem>>, %arg3: memref<64x32xf32, #tpu.memory_space<vmem>>, %arg4: memref<64x32xi32, #tpu.memory_space<vmem>>) attributes {dimension_semantics = [], scalar_prefetch = 0 : i64, scratch_operands = 0 : i64, tpu.core_type = #tpu.core_type<tc>} {
    %get3A = arith.constant 0 : index
    %get3A_0 = arith.constant 0 : index
    %get3A_1 = vector.load %arg1[%get3A, %get3A_0] : memref<32x256xf32, #tpu.memory_space<vmem>>, vector<32x256xf32>
    %iota3A = tpu.iota {dimensions = array<i32: 2>} : vector<64x32x256xi32>
    %mul3A = arith.constant 5.000000e-01 : f32
    %mul3A_2 = vector.broadcast %mul3A : f32 to vector<32x256xf32>
    %mul3A_3 = arith.mulf %get3A_1, %mul3A_2 : vector<32x256xf32>
    %exp3A = math.exp %mul3A_3 : vector<32x256xf32>
    %reduce_sum3A = arith.constant dense<0.000000e+00> : vector<32xf32>
    %reduce_sum3A_4 = vector.multi_reduction <add>, %exp3A, %reduce_sum3A [1] : vector<32x256xf32> to vector<32xf32>
    %broadcast_in_dim3A = vector.shape_cast %reduce_sum3A_4 : vector<32xf32> to vector<1x32xf32>
    %broadcast_in_dim3A_5 = vector.shape_cast %broadcast_in_dim3A : vector<1x32xf32> to vector<1x32xf32>
    %broadcast_in_dim3A_6 = vector.broadcast %broadcast_in_dim3A_5 : vector<1x32xf32> to vector<8x32xf32>
    %swap3A = arith.constant 0 : index
    %swap3A_7 = arith.constant 0 : index
    %swap3A_8 = vector.load %arg2[%swap3A, %swap3A_7] : memref<8x32xf32, #tpu.memory_space<vmem>>, vector<8x32xf32>
    tpu.vector_store %arg2[%swap3A, %swap3A_7], %broadcast_in_dim3A_6 {strides = array<i32>} : memref<8x32xf32, #tpu.memory_space<vmem>>, vector<8x32xf32>,
    %get3A_9 = arith.constant 0 : index
    %get3A_10 = arith.constant 0 : index
    %get3A_11 = arith.constant 0 : index
    %get3A_12 = vector.load %arg0[%get3A_9, %get3A_10, %get3A_11] : memref<64x32x256xf32, #tpu.memory_space<vmem>>, vector<64x32x256xf32>
    %broadcast_in_dim3A_13 = vector.shape_cast %get3A_1 : vector<32x256xf32> to vector<1x32x256xf32>
    %mul3A_14 = vector.broadcast %broadcast_in_dim3A_13 : vector<1x32x256xf32> to vector<64x32x256xf32>
    %mul3A_15 = arith.mulf %get3A_12, %mul3A_14 : vector<64x32x256xf32>
    %reduce_sum3A_16 = arith.constant dense<0.000000e+00> : vector<64x32xf32>
    %reduce_sum3A_17 = vector.multi_reduction <add>, %mul3A_15, %reduce_sum3A_16 [2] : vector<64x32x256xf32> to vector<64x32xf32>
    %swap3A_18 = arith.constant 0 : index
    %swap3A_19 = arith.constant 0 : index
    %swap3A_20 = vector.load %arg3[%swap3A_18, %swap3A_19] : memref<64x32xf32, #tpu.memory_space<vmem>>, vector<64x32xf32>
    tpu.vector_store %arg3[%swap3A_18, %swap3A_19], %reduce_sum3A_17 {strides = array<i32>} : memref<64x32xf32, #tpu.memory_space<vmem>>, vector<64x32xf32>,
    %convert_element_type3A = arith.sitofp %iota3A : vector<64x32x256xi32> to vector<64x32x256xf32>
    %mul3A_21 = arith.mulf %get3A_12, %convert_element_type3A : vector<64x32x256xf32>
    %reduce_sum3A_22 = arith.constant dense<0.000000e+00> : vector<64x32xf32>
    %reduce_sum3A_23 = vector.multi_reduction <add>, %mul3A_21, %reduce_sum3A_22 [2] : vector<64x32x256xf32> to vector<64x32xf32>
    %convert_element_type3A_24 = arith.fptosi %reduce_sum3A_23 : vector<64x32xf32> to vector<64x32xi32>
    %swap3A_25 = arith.constant 0 : index
    %swap3A_26 = arith.constant 0 : index
    %swap3A_27 = vector.load %arg4[%swap3A_25, %swap3A_26] : memref<64x32xi32, #tpu.memory_space<vmem>>, vector<64x32xi32>
    tpu.vector_store %arg4[%swap3A_25, %swap3A_26], %convert_element_type3A_24 {strides = array<i32>} : memref<64x32xi32, #tpu.memory_space<vmem>>, vector<64x32xi32>,
    return
  }
}

module attributes {stable_mosaic.version = 14 : i64} {
  func.func @_stage1_body(%arg0: i32, %arg1: memref<19x2xi32, #tpu.memory_space<smem>>, %arg2: memref<32x256xf32, #tpu.memory_space<vmem>>, %arg3: memref<1x64x32xi32, #tpu.memory_space<vmem>>, %arg4: memref<1x64x32xi32, #tpu.memory_space<vmem>>, %arg5: memref<1x64x32xf32, #tpu.memory_space<vmem>>, %arg6: memref<1x64x32xf32, #tpu.memory_space<vmem>>, %arg7: memref<1x64x32xf32, #tpu.memory_space<vmem>>, %arg8: memref<1x64x32xf32, #tpu.memory_space<vmem>>) attributes {dimension_semantics = [#tpu.dimension_semantics<parallel>], iteration_bounds = array<i64: 19>, scalar_prefetch = 0 : i64, scratch_operands = 0 : i64, tpu.core_type = #tpu.core_type<tc>, window_params = [{transform_indices = @transform_0, window_bounds = array<i64: 19, 2>}, {pipeline_mode = #tpu.pipeline_mode<synchronous>, transform_indices = @transform_1, window_bounds = array<i64: 32, 256>}, {transform_indices = @transform_2, window_bounds = array<i64: 1, 64, 32>}, {transform_indices = @transform_3, window_bounds = array<i64: 1, 64, 32>}, {transform_indices = @transform_4, window_bounds = array<i64: 1, 64, 32>}, {transform_indices = @transform_5, window_bounds = array<i64: 1, 64, 32>}, {transform_indices = @transform_6, window_bounds = array<i64: 1, 64, 32>}, {transform_indices = @transform_7, window_bounds = array<i64: 1, 64, 32>}]} {
    %get3A = arith.index_cast %arg0 : i32 to index
    %get3A_0 = arith.constant 0 : index
    %get3A_1 = memref.load %arg1[%get3A, %get3A_0] : memref<19x2xi32, #tpu.memory_space<smem>>
    %get3A_2 = arith.index_cast %arg0 : i32 to index
    %get3A_3 = arith.constant 1 : index
    %get3A_4 = memref.load %arg1[%get3A_2, %get3A_3] : memref<19x2xi32, #tpu.memory_space<smem>>
    %iota3A = tpu.iota {dimensions = array<i32: 0>} : vector<64x32x256xi32>
    %iota3A_5 = tpu.iota {dimensions = array<i32: 1>} : vector<64x32x256xi32>
    %iota3A_6 = tpu.iota {dimensions = array<i32: 2>} : vector<64x32x256xi32>
    %mul3A = arith.constant 8192 : i32
    %mul3A_7 = vector.broadcast %mul3A : i32 to vector<64x32x256xi32>
    %mul3A_8 = arith.muli %iota3A, %mul3A_7 : vector<64x32x256xi32>
    %mul3A_9 = arith.constant 256 : i32
    %mul3A_10 = vector.broadcast %mul3A_9 : i32 to vector<64x32x256xi32>
    %mul3A_11 = arith.muli %iota3A_5, %mul3A_10 : vector<64x32x256xi32>
    %add3A = arith.addi %mul3A_8, %mul3A_11 : vector<64x32x256xi32>
    %add3A_12 = arith.addi %add3A, %iota3A_6 : vector<64x32x256xi32>
    %xor3A = arith.xori %get3A_1, %get3A_4 : i32
    %xor3A_13 = arith.constant 466688986 : i32
    %xor3A_14 = arith.xori %xor3A, %xor3A_13 : i32
    %broadcast_in_dim3A = vector.broadcast %get3A_1 : i32 to vector<64x32x256xi32>
    %add3A_15 = vector.broadcast %get3A_4 : i32 to vector<64x32x256xi32>
    %add3A_16 = arith.addi %add3A_12, %add3A_15 : vector<64x32x256xi32>
    %add3A_17 = arith.addi %broadcast_in_dim3A, %add3A_16 : vector<64x32x256xi32>
    %shift_left3A = arith.constant 13 : i32
    %shift_left3A_18 = vector.broadcast %shift_left3A : i32 to vector<64x32x256xi32>
    %shift_left3A_19 = arith.shli %add3A_16, %shift_left3A_18 : vector<64x32x256xi32>
    %shift_right_logical3A = arith.constant 19 : i32
    %shift_right_logical3A_20 = vector.broadcast %shift_right_logical3A : i32 to vector<64x32x256xi32>
    %shift_right_logical3A_21 = arith.shrui %add3A_16, %shift_right_logical3A_20 : vector<64x32x256xi32>
    %or3A = arith.ori %shift_left3A_19, %shift_right_logical3A_21 : vector<64x32x256xi32>
    %xor3A_22 = arith.xori %or3A, %add3A_17 : vector<64x32x256xi32>
    %add3A_23 = arith.addi %add3A_17, %xor3A_22 : vector<64x32x256xi32>
    %shift_left3A_24 = arith.constant 15 : i32
    %shift_left3A_25 = vector.broadcast %shift_left3A_24 : i32 to vector<64x32x256xi32>
    %shift_left3A_26 = arith.shli %xor3A_22, %shift_left3A_25 : vector<64x32x256xi32>
    %shift_right_logical3A_27 = arith.constant 17 : i32
    %shift_right_logical3A_28 = vector.broadcast %shift_right_logical3A_27 : i32 to vector<64x32x256xi32>
    %shift_right_logical3A_29 = arith.shrui %xor3A_22, %shift_right_logical3A_28 : vector<64x32x256xi32>
    %or3A_30 = arith.ori %shift_left3A_26, %shift_right_logical3A_29 : vector<64x32x256xi32>
    %xor3A_31 = arith.xori %or3A_30, %add3A_23 : vector<64x32x256xi32>
    %add3A_32 = arith.addi %add3A_23, %xor3A_31 : vector<64x32x256xi32>
    %shift_left3A_33 = arith.constant 26 : i32
    %shift_left3A_34 = vector.broadcast %shift_left3A_33 : i32 to vector<64x32x256xi32>
    %shift_left3A_35 = arith.shli %xor3A_31, %shift_left3A_34 : vector<64x32x256xi32>
    %shift_right_logical3A_36 = arith.constant 6 : i32
    %shift_right_logical3A_37 = vector.broadcast %shift_right_logical3A_36 : i32 to vector<64x32x256xi32>
    %shift_right_logical3A_38 = arith.shrui %xor3A_31, %shift_right_logical3A_37 : vector<64x32x256xi32>
    %or3A_39 = arith.ori %shift_left3A_35, %shift_right_logical3A_38 : vector<64x32x256xi32>
    %xor3A_40 = arith.xori %or3A_39, %add3A_32 : vector<64x32x256xi32>
    %add3A_41 = arith.addi %add3A_32, %xor3A_40 : vector<64x32x256xi32>
    %shift_left3A_42 = arith.constant 6 : i32
    %shift_left3A_43 = vector.broadcast %shift_left3A_42 : i32 to vector<64x32x256xi32>
    %shift_left3A_44 = arith.shli %xor3A_40, %shift_left3A_43 : vector<64x32x256xi32>
    %shift_right_logical3A_45 = arith.constant 26 : i32
    %shift_right_logical3A_46 = vector.broadcast %shift_right_logical3A_45 : i32 to vector<64x32x256xi32>
    %shift_right_logical3A_47 = arith.shrui %xor3A_40, %shift_right_logical3A_46 : vector<64x32x256xi32>
    %or3A_48 = arith.ori %shift_left3A_44, %shift_right_logical3A_47 : vector<64x32x256xi32>
    %xor3A_49 = arith.xori %or3A_48, %add3A_41 : vector<64x32x256xi32>
    %add3A_50 = vector.broadcast %get3A_4 : i32 to vector<64x32x256xi32>
    %add3A_51 = arith.addi %add3A_41, %add3A_50 : vector<64x32x256xi32>
    %add3A_52 = vector.broadcast %xor3A_14 : i32 to vector<64x32x256xi32>
    %add3A_53 = arith.addi %xor3A_49, %add3A_52 : vector<64x32x256xi32>
    %add3A_54 = arith.constant 1 : i32
    %add3A_55 = vector.broadcast %add3A_54 : i32 to vector<64x32x256xi32>
    %add3A_56 = arith.addi %add3A_53, %add3A_55 : vector<64x32x256xi32>
    %add3A_57 = arith.addi %add3A_51, %add3A_56 : vector<64x32x256xi32>
    %shift_left3A_58 = arith.constant 17 : i32
    %shift_left3A_59 = vector.broadcast %shift_left3A_58 : i32 to vector<64x32x256xi32>
    %shift_left3A_60 = arith.shli %add3A_56, %shift_left3A_59 : vector<64x32x256xi32>
    %shift_right_logical3A_61 = arith.constant 15 : i32
    %shift_right_logical3A_62 = vector.broadcast %shift_right_logical3A_61 : i32 to vector<64x32x256xi32>
    %shift_right_logical3A_63 = arith.shrui %add3A_56, %shift_right_logical3A_62 : vector<64x32x256xi32>
    %or3A_64 = arith.ori %shift_left3A_60, %shift_right_logical3A_63 : vector<64x32x256xi32>
    %xor3A_65 = arith.xori %or3A_64, %add3A_57 : vector<64x32x256xi32>
    %add3A_66 = arith.addi %add3A_57, %xor3A_65 : vector<64x32x256xi32>
    %shift_left3A_67 = arith.constant 29 : i32
    %shift_left3A_68 = vector.broadcast %shift_left3A_67 : i32 to vector<64x32x256xi32>
    %shift_left3A_69 = arith.shli %xor3A_65, %shift_left3A_68 : vector<64x32x256xi32>
    %shift_right_logical3A_70 = arith.constant 3 : i32
    %shift_right_logical3A_71 = vector.broadcast %shift_right_logical3A_70 : i32 to vector<64x32x256xi32>
    %shift_right_logical3A_72 = arith.shrui %xor3A_65, %shift_right_logical3A_71 : vector<64x32x256xi32>
    %or3A_73 = arith.ori %shift_left3A_69, %shift_right_logical3A_72 : vector<64x32x256xi32>
    %xor3A_74 = arith.xori %or3A_73, %add3A_66 : vector<64x32x256xi32>
    %add3A_75 = arith.addi %add3A_66, %xor3A_74 : vector<64x32x256xi32>
    %shift_left3A_76 = arith.constant 16 : i32
    %shift_left3A_77 = vector.broadcast %shift_left3A_76 : i32 to vector<64x32x256xi32>
    %shift_left3A_78 = arith.shli %xor3A_74, %shift_left3A_77 : vector<64x32x256xi32>
    %shift_right_logical3A_79 = arith.constant 16 : i32
    %shift_right_logical3A_80 = vector.broadcast %shift_right_logical3A_79 : i32 to vector<64x32x256xi32>
    %shift_right_logical3A_81 = arith.shrui %xor3A_74, %shift_right_logical3A_80 : vector<64x32x256xi32>
    %or3A_82 = arith.ori %shift_left3A_78, %shift_right_logical3A_81 : vector<64x32x256xi32>
    %xor3A_83 = arith.xori %or3A_82, %add3A_75 : vector<64x32x256xi32>
    %add3A_84 = arith.addi %add3A_75, %xor3A_83 : vector<64x32x256xi32>
    %shift_left3A_85 = arith.constant 24 : i32
    %shift_left3A_86 = vector.broadcast %shift_left3A_85 : i32 to vector<64x32x256xi32>
    %shift_left3A_87 = arith.shli %xor3A_83, %shift_left3A_86 : vector<64x32x256xi32>
    %shift_right_logical3A_88 = arith.constant 8 : i32
    %shift_right_logical3A_89 = vector.broadcast %shift_right_logical3A_88 : i32 to vector<64x32x256xi32>
    %shift_right_logical3A_90 = arith.shrui %xor3A_83, %shift_right_logical3A_89 : vector<64x32x256xi32>
    %or3A_91 = arith.ori %shift_left3A_87, %shift_right_logical3A_90 : vector<64x32x256xi32>
    %xor3A_92 = arith.xori %or3A_91, %add3A_84 : vector<64x32x256xi32>
    %add3A_93 = vector.broadcast %xor3A_14 : i32 to vector<64x32x256xi32>
    %add3A_94 = arith.addi %add3A_84, %add3A_93 : vector<64x32x256xi32>
    %add3A_95 = vector.broadcast %get3A_1 : i32 to vector<64x32x256xi32>
    %add3A_96 = arith.addi %xor3A_92, %add3A_95 : vector<64x32x256xi32>
    %add3A_97 = arith.constant 2 : i32
    %add3A_98 = vector.broadcast %add3A_97 : i32 to vector<64x32x256xi32>
    %add3A_99 = arith.addi %add3A_96, %add3A_98 : vector<64x32x256xi32>
    %add3A_100 = arith.addi %add3A_94, %add3A_99 : vector<64x32x256xi32>
    %shift_left3A_101 = arith.constant 13 : i32
    %shift_left3A_102 = vector.broadcast %shift_left3A_101 : i32 to vector<64x32x256xi32>
    %shift_left3A_103 = arith.shli %add3A_99, %shift_left3A_102 : vector<64x32x256xi32>
    %shift_right_logical3A_104 = arith.constant 19 : i32
    %shift_right_logical3A_105 = vector.broadcast %shift_right_logical3A_104 : i32 to vector<64x32x256xi32>
    %shift_right_logical3A_106 = arith.shrui %add3A_99, %shift_right_logical3A_105 : vector<64x32x256xi32>
    %or3A_107 = arith.ori %shift_left3A_103, %shift_right_logical3A_106 : vector<64x32x256xi32>
    %xor3A_108 = arith.xori %or3A_107, %add3A_100 : vector<64x32x256xi32>
    %add3A_109 = arith.addi %add3A_100, %xor3A_108 : vector<64x32x256xi32>
    %shift_left3A_110 = arith.constant 15 : i32
    %shift_left3A_111 = vector.broadcast %shift_left3A_110 : i32 to vector<64x32x256xi32>
    %shift_left3A_112 = arith.shli %xor3A_108, %shift_left3A_111 : vector<64x32x256xi32>
    %shift_right_logical3A_113 = arith.constant 17 : i32
    %shift_right_logical3A_114 = vector.broadcast %shift_right_logical3A_113 : i32 to vector<64x32x256xi32>
    %shift_right_logical3A_115 = arith.shrui %xor3A_108, %shift_right_logical3A_114 : vector<64x32x256xi32>
    %or3A_116 = arith.ori %shift_left3A_112, %shift_right_logical3A_115 : vector<64x32x256xi32>
    %xor3A_117 = arith.xori %or3A_116, %add3A_109 : vector<64x32x256xi32>
    %add3A_118 = arith.addi %add3A_109, %xor3A_117 : vector<64x32x256xi32>
    %shift_left3A_119 = arith.constant 26 : i32
    %shift_left3A_120 = vector.broadcast %shift_left3A_119 : i32 to vector<64x32x256xi32>
    %shift_left3A_121 = arith.shli %xor3A_117, %shift_left3A_120 : vector<64x32x256xi32>
    %shift_right_logical3A_122 = arith.constant 6 : i32
    %shift_right_logical3A_123 = vector.broadcast %shift_right_logical3A_122 : i32 to vector<64x32x256xi32>
    %shift_right_logical3A_124 = arith.shrui %xor3A_117, %shift_right_logical3A_123 : vector<64x32x256xi32>
    %or3A_125 = arith.ori %shift_left3A_121, %shift_right_logical3A_124 : vector<64x32x256xi32>
    %xor3A_126 = arith.xori %or3A_125, %add3A_118 : vector<64x32x256xi32>
    %add3A_127 = arith.addi %add3A_118, %xor3A_126 : vector<64x32x256xi32>
    %shift_left3A_128 = arith.constant 6 : i32
    %shift_left3A_129 = vector.broadcast %shift_left3A_128 : i32 to vector<64x32x256xi32>
    %shift_left3A_130 = arith.shli %xor3A_126, %shift_left3A_129 : vector<64x32x256xi32>
    %shift_right_logical3A_131 = arith.constant 26 : i32
    %shift_right_logical3A_132 = vector.broadcast %shift_right_logical3A_131 : i32 to vector<64x32x256xi32>
    %shift_right_logical3A_133 = arith.shrui %xor3A_126, %shift_right_logical3A_132 : vector<64x32x256xi32>
    %or3A_134 = arith.ori %shift_left3A_130, %shift_right_logical3A_133 : vector<64x32x256xi32>
    %xor3A_135 = arith.xori %or3A_134, %add3A_127 : vector<64x32x256xi32>
    %add3A_136 = vector.broadcast %get3A_1 : i32 to vector<64x32x256xi32>
    %add3A_137 = arith.addi %add3A_127, %add3A_136 : vector<64x32x256xi32>
    %add3A_138 = vector.broadcast %get3A_4 : i32 to vector<64x32x256xi32>
    %add3A_139 = arith.addi %xor3A_135, %add3A_138 : vector<64x32x256xi32>
    %add3A_140 = arith.constant 3 : i32
    %add3A_141 = vector.broadcast %add3A_140 : i32 to vector<64x32x256xi32>
    %add3A_142 = arith.addi %add3A_139, %add3A_141 : vector<64x32x256xi32>
    %add3A_143 = arith.addi %add3A_137, %add3A_142 : vector<64x32x256xi32>
    %shift_left3A_144 = arith.constant 17 : i32
    %shift_left3A_145 = vector.broadcast %shift_left3A_144 : i32 to vector<64x32x256xi32>
    %shift_left3A_146 = arith.shli %add3A_142, %shift_left3A_145 : vector<64x32x256xi32>
    %shift_right_logical3A_147 = arith.constant 15 : i32
    %shift_right_logical3A_148 = vector.broadcast %shift_right_logical3A_147 : i32 to vector<64x32x256xi32>
    %shift_right_logical3A_149 = arith.shrui %add3A_142, %shift_right_logical3A_148 : vector<64x32x256xi32>
    %or3A_150 = arith.ori %shift_left3A_146, %shift_right_logical3A_149 : vector<64x32x256xi32>
    %xor3A_151 = arith.xori %or3A_150, %add3A_143 : vector<64x32x256xi32>
    %add3A_152 = arith.addi %add3A_143, %xor3A_151 : vector<64x32x256xi32>
    %shift_left3A_153 = arith.constant 29 : i32
    %shift_left3A_154 = vector.broadcast %shift_left3A_153 : i32 to vector<64x32x256xi32>
    %shift_left3A_155 = arith.shli %xor3A_151, %shift_left3A_154 : vector<64x32x256xi32>
    %shift_right_logical3A_156 = arith.constant 3 : i32
    %shift_right_logical3A_157 = vector.broadcast %shift_right_logical3A_156 : i32 to vector<64x32x256xi32>
    %shift_right_logical3A_158 = arith.shrui %xor3A_151, %shift_right_logical3A_157 : vector<64x32x256xi32>
    %or3A_159 = arith.ori %shift_left3A_155, %shift_right_logical3A_158 : vector<64x32x256xi32>
    %xor3A_160 = arith.xori %or3A_159, %add3A_152 : vector<64x32x256xi32>
    %add3A_161 = arith.addi %add3A_152, %xor3A_160 : vector<64x32x256xi32>
    %shift_left3A_162 = arith.constant 16 : i32
    %shift_left3A_163 = vector.broadcast %shift_left3A_162 : i32 to vector<64x32x256xi32>
    %shift_left3A_164 = arith.shli %xor3A_160, %shift_left3A_163 : vector<64x32x256xi32>
    %shift_right_logical3A_165 = arith.constant 16 : i32
    %shift_right_logical3A_166 = vector.broadcast %shift_right_logical3A_165 : i32 to vector<64x32x256xi32>
    %shift_right_logical3A_167 = arith.shrui %xor3A_160, %shift_right_logical3A_166 : vector<64x32x256xi32>
    %or3A_168 = arith.ori %shift_left3A_164, %shift_right_logical3A_167 : vector<64x32x256xi32>
    %xor3A_169 = arith.xori %or3A_168, %add3A_161 : vector<64x32x256xi32>
    %add3A_170 = arith.addi %add3A_161, %xor3A_169 : vector<64x32x256xi32>
    %shift_left3A_171 = arith.constant 24 : i32
    %shift_left3A_172 = vector.broadcast %shift_left3A_171 : i32 to vector<64x32x256xi32>
    %shift_left3A_173 = arith.shli %xor3A_169, %shift_left3A_172 : vector<64x32x256xi32>
    %shift_right_logical3A_174 = arith.constant 8 : i32
    %shift_right_logical3A_175 = vector.broadcast %shift_right_logical3A_174 : i32 to vector<64x32x256xi32>
    %shift_right_logical3A_176 = arith.shrui %xor3A_169, %shift_right_logical3A_175 : vector<64x32x256xi32>
    %or3A_177 = arith.ori %shift_left3A_173, %shift_right_logical3A_176 : vector<64x32x256xi32>
    %xor3A_178 = arith.xori %or3A_177, %add3A_170 : vector<64x32x256xi32>
    %add3A_179 = vector.broadcast %get3A_4 : i32 to vector<64x32x256xi32>
    %add3A_180 = arith.addi %add3A_170, %add3A_179 : vector<64x32x256xi32>
    %add3A_181 = vector.broadcast %xor3A_14 : i32 to vector<64x32x256xi32>
    %add3A_182 = arith.addi %xor3A_178, %add3A_181 : vector<64x32x256xi32>
    %add3A_183 = arith.constant 4 : i32
    %add3A_184 = vector.broadcast %add3A_183 : i32 to vector<64x32x256xi32>
    %add3A_185 = arith.addi %add3A_182, %add3A_184 : vector<64x32x256xi32>
    %add3A_186 = arith.addi %add3A_180, %add3A_185 : vector<64x32x256xi32>
    %shift_left3A_187 = arith.constant 13 : i32
    %shift_left3A_188 = vector.broadcast %shift_left3A_187 : i32 to vector<64x32x256xi32>
    %shift_left3A_189 = arith.shli %add3A_185, %shift_left3A_188 : vector<64x32x256xi32>
    %shift_right_logical3A_190 = arith.constant 19 : i32
    %shift_right_logical3A_191 = vector.broadcast %shift_right_logical3A_190 : i32 to vector<64x32x256xi32>
    %shift_right_logical3A_192 = arith.shrui %add3A_185, %shift_right_logical3A_191 : vector<64x32x256xi32>
    %or3A_193 = arith.ori %shift_left3A_189, %shift_right_logical3A_192 : vector<64x32x256xi32>
    %xor3A_194 = arith.xori %or3A_193, %add3A_186 : vector<64x32x256xi32>
    %add3A_195 = arith.addi %add3A_186, %xor3A_194 : vector<64x32x256xi32>
    %shift_left3A_196 = arith.constant 15 : i32
    %shift_left3A_197 = vector.broadcast %shift_left3A_196 : i32 to vector<64x32x256xi32>
    %shift_left3A_198 = arith.shli %xor3A_194, %shift_left3A_197 : vector<64x32x256xi32>
    %shift_right_logical3A_199 = arith.constant 17 : i32
    %shift_right_logical3A_200 = vector.broadcast %shift_right_logical3A_199 : i32 to vector<64x32x256xi32>
    %shift_right_logical3A_201 = arith.shrui %xor3A_194, %shift_right_logical3A_200 : vector<64x32x256xi32>
    %or3A_202 = arith.ori %shift_left3A_198, %shift_right_logical3A_201 : vector<64x32x256xi32>
    %xor3A_203 = arith.xori %or3A_202, %add3A_195 : vector<64x32x256xi32>
    %add3A_204 = arith.addi %add3A_195, %xor3A_203 : vector<64x32x256xi32>
    %shift_left3A_205 = arith.constant 26 : i32
    %shift_left3A_206 = vector.broadcast %shift_left3A_205 : i32 to vector<64x32x256xi32>
    %shift_left3A_207 = arith.shli %xor3A_203, %shift_left3A_206 : vector<64x32x256xi32>
    %shift_right_logical3A_208 = arith.constant 6 : i32
    %shift_right_logical3A_209 = vector.broadcast %shift_right_logical3A_208 : i32 to vector<64x32x256xi32>
    %shift_right_logical3A_210 = arith.shrui %xor3A_203, %shift_right_logical3A_209 : vector<64x32x256xi32>
    %or3A_211 = arith.ori %shift_left3A_207, %shift_right_logical3A_210 : vector<64x32x256xi32>
    %xor3A_212 = arith.xori %or3A_211, %add3A_204 : vector<64x32x256xi32>
    %add3A_213 = arith.addi %add3A_204, %xor3A_212 : vector<64x32x256xi32>
    %shift_left3A_214 = arith.constant 6 : i32
    %shift_left3A_215 = vector.broadcast %shift_left3A_214 : i32 to vector<64x32x256xi32>
    %shift_left3A_216 = arith.shli %xor3A_212, %shift_left3A_215 : vector<64x32x256xi32>
    %shift_right_logical3A_217 = arith.constant 26 : i32
    %shift_right_logical3A_218 = vector.broadcast %shift_right_logical3A_217 : i32 to vector<64x32x256xi32>
    %shift_right_logical3A_219 = arith.shrui %xor3A_212, %shift_right_logical3A_218 : vector<64x32x256xi32>
    %or3A_220 = arith.ori %shift_left3A_216, %shift_right_logical3A_219 : vector<64x32x256xi32>
    %xor3A_221 = arith.xori %or3A_220, %add3A_213 : vector<64x32x256xi32>
    %add3A_222 = vector.broadcast %xor3A_14 : i32 to vector<64x32x256xi32>
    %add3A_223 = arith.addi %add3A_213, %add3A_222 : vector<64x32x256xi32>
    %add3A_224 = vector.broadcast %get3A_1 : i32 to vector<64x32x256xi32>
    %add3A_225 = arith.addi %xor3A_221, %add3A_224 : vector<64x32x256xi32>
    %add3A_226 = arith.constant 5 : i32
    %add3A_227 = vector.broadcast %add3A_226 : i32 to vector<64x32x256xi32>
    %add3A_228 = arith.addi %add3A_225, %add3A_227 : vector<64x32x256xi32>
    %xor3A_229 = arith.xori %add3A_223, %add3A_228 : vector<64x32x256xi32>
    %shift_right_logical3A_230 = arith.constant 9 : i32
    %shift_right_logical3A_231 = vector.broadcast %shift_right_logical3A_230 : i32 to vector<64x32x256xi32>
    %shift_right_logical3A_232 = arith.shrui %xor3A_229, %shift_right_logical3A_231 : vector<64x32x256xi32>
    %or3A_233 = arith.constant 1065353216 : i32
    %or3A_234 = vector.broadcast %or3A_233 : i32 to vector<64x32x256xi32>
    %or3A_235 = arith.ori %shift_right_logical3A_232, %or3A_234 : vector<64x32x256xi32>
    %bitcast_convert_type3A = tpu.bitcast %or3A_235 : vector<64x32x256xi32> -> vector<64x32x256xf32>
    %sub3A = arith.constant 1.000000e+00 : f32
    %sub3A_236 = vector.broadcast %sub3A : f32 to vector<64x32x256xf32>
    %sub3A_237 = arith.subf %bitcast_convert_type3A, %sub3A_236 : vector<64x32x256xf32>
    %sub3A_238 = arith.constant 1.000000e+00 : f32
    %sub3A_239 = arith.constant 1.17549435E-38 : f32
    %sub3A_240 = arith.subf %sub3A_238, %sub3A_239 : f32
    %mul3A_241 = vector.broadcast %sub3A_240 : f32 to vector<64x32x256xf32>
    %mul3A_242 = arith.mulf %sub3A_237, %mul3A_241 : vector<64x32x256xf32>
    %add3A_243 = arith.constant 1.17549435E-38 : f32
    %add3A_244 = vector.broadcast %add3A_243 : f32 to vector<64x32x256xf32>
    %add3A_245 = arith.addf %mul3A_242, %add3A_244 : vector<64x32x256xf32>
    %max3A = arith.constant 1.17549435E-38 : f32
    %max3A_246 = vector.broadcast %max3A : f32 to vector<64x32x256xf32>
    %max3A_247 = arith.maximumf %max3A_246, %add3A_245 : vector<64x32x256xf32>
    %log3A = math.log %max3A_247 : vector<64x32x256xf32>
    %neg3A = arith.constant 0.000000e+00 : f32
    %neg3A_248 = vector.broadcast %neg3A : f32 to vector<64x32x256xf32>
    %neg3A_249 = arith.subf %neg3A_248, %log3A : vector<64x32x256xf32>
    %log3A_250 = math.log %neg3A_249 : vector<64x32x256xf32>
    %neg3A_251 = arith.constant 0.000000e+00 : f32
    %neg3A_252 = vector.broadcast %neg3A_251 : f32 to vector<64x32x256xf32>
    %neg3A_253 = arith.subf %neg3A_252, %log3A_250 : vector<64x32x256xf32>
    %get3A_254 = arith.constant 0 : index
    %get3A_255 = arith.constant 0 : index
    %get3A_256 = vector.load %arg2[%get3A_254, %get3A_255] : memref<32x256xf32, #tpu.memory_space<vmem>>, vector<32x256xf32>
    %mul3A_257 = arith.constant 5.000000e-01 : f32
    %mul3A_258 = vector.broadcast %mul3A_257 : f32 to vector<32x256xf32>
    %mul3A_259 = arith.mulf %get3A_256, %mul3A_258 : vector<32x256xf32>
    %broadcast_in_dim3A_260 = vector.shape_cast %mul3A_259 : vector<32x256xf32> to vector<1x32x256xf32>
    %add3A_261 = vector.broadcast %broadcast_in_dim3A_260 : vector<1x32x256xf32> to vector<64x32x256xf32>
    %add3A_262 = arith.addf %neg3A_253, %add3A_261 : vector<64x32x256xf32>
    %iota3A_263 = tpu.iota {dimensions = array<i32: 2>} : vector<64x32x256xi32>
    %reduce_max3A = arith.constant dense<0xFF800000> : vector<64x32xf32>
    %reduce_max3A_264 = vector.multi_reduction <maximumf>, %add3A_262, %reduce_max3A [2] : vector<64x32x256xf32> to vector<64x32xf32>
    %broadcast_in_dim3A_265 = vector.shape_cast %reduce_max3A_264 : vector<64x32xf32> to vector<64x32x1xf32>
    %eq3A = vector.broadcast %broadcast_in_dim3A_265 : vector<64x32x1xf32> to vector<64x32x256xf32>
    %eq3A_266 = arith.cmpf oeq, %add3A_262, %eq3A : vector<64x32x256xf32>
    %jit3A = arith.constant 256 : i32
    %broadcast_in_dim3A_267 = vector.broadcast %jit3A : i32 to vector<64x32x256xi32>
    %select_n3A = arith.select %eq3A_266, %iota3A_263, %broadcast_in_dim3A_267 : vector<64x32x256xi1>, vector<64x32x256xi32>
    %reduce_min3A = arith.constant dense<2147483647> : vector<64x32xi32>
    %reduce_min3A_268 = vector.multi_reduction <minsi>, %select_n3A, %reduce_min3A [2] : vector<64x32x256xi32> to vector<64x32xi32>
    %broadcast_in_dim3A_269 = vector.shape_cast %reduce_min3A_268 : vector<64x32xi32> to vector<64x32x1xi32>
    %eq3A_270 = vector.broadcast %broadcast_in_dim3A_269 : vector<64x32x1xi32> to vector<64x32x256xi32>
    %eq3A_271 = arith.cmpi eq, %iota3A_263, %eq3A_270 : vector<64x32x256xi32>
    %jit3A_272 = arith.constant 0xFF800000 : f32
    %broadcast_in_dim3A_273 = vector.broadcast %jit3A_272 : f32 to vector<64x32x256xf32>
    %select_n3A_274 = arith.select %eq3A_271, %broadcast_in_dim3A_273, %add3A_262 : vector<64x32x256xi1>, vector<64x32x256xf32>
    %reduce_max3A_275 = arith.constant dense<0xFF800000> : vector<64x32xf32>
    %reduce_max3A_276 = vector.multi_reduction <maximumf>, %select_n3A_274, %reduce_max3A_275 [2] : vector<64x32x256xf32> to vector<64x32xf32>
    %broadcast_in_dim3A_277 = vector.shape_cast %reduce_max3A_276 : vector<64x32xf32> to vector<64x32x1xf32>
    %eq3A_278 = vector.broadcast %broadcast_in_dim3A_277 : vector<64x32x1xf32> to vector<64x32x256xf32>
    %eq3A_279 = arith.cmpf oeq, %select_n3A_274, %eq3A_278 : vector<64x32x256xf32>
    %jit3A_280 = arith.constant 256 : i32
    %broadcast_in_dim3A_281 = vector.broadcast %jit3A_280 : i32 to vector<64x32x256xi32>
    %select_n3A_282 = arith.select %eq3A_279, %iota3A_263, %broadcast_in_dim3A_281 : vector<64x32x256xi1>, vector<64x32x256xi32>
    %reduce_min3A_283 = arith.constant dense<2147483647> : vector<64x32xi32>
    %reduce_min3A_284 = vector.multi_reduction <minsi>, %select_n3A_282, %reduce_min3A_283 [2] : vector<64x32x256xi32> to vector<64x32xi32>
    %broadcast_in_dim3A_285 = vector.shape_cast %reduce_min3A_284 : vector<64x32xi32> to vector<64x32x1xi32>
    %eq3A_286 = vector.broadcast %broadcast_in_dim3A_285 : vector<64x32x1xi32> to vector<64x32x256xi32>
    %eq3A_287 = arith.cmpi eq, %iota3A_263, %eq3A_286 : vector<64x32x256xi32>
    %broadcast_in_dim3A_288 = vector.shape_cast %get3A_256 : vector<32x256xf32> to vector<1x32x256xf32>
    %broadcast_in_dim3A_289 = vector.shape_cast %broadcast_in_dim3A_288 : vector<1x32x256xf32> to vector<1x32x256xf32>
    %broadcast_in_dim3A_290 = vector.broadcast %broadcast_in_dim3A_289 : vector<1x32x256xf32> to vector<64x32x256xf32>
    %swap3A = arith.constant 0 : index
    %swap3A_291 = arith.constant 0 : index
    %swap3A_292 = arith.constant 0 : index
    %swap3A_293 = vector.load %arg3[%swap3A, %swap3A_291, %swap3A_292] : memref<1x64x32xi32, #tpu.memory_space<vmem>>, vector<1x64x32xi32>
    %swap3A_294 = vector.shape_cast %swap3A_293 : vector<1x64x32xi32> to vector<64x32xi32>
    %swap3A_295 = vector.shape_cast %reduce_min3A_268 : vector<64x32xi32> to vector<1x64x32xi32>
    tpu.vector_store %arg3[%swap3A, %swap3A_291, %swap3A_292], %swap3A_295 {strides = array<i32>} : memref<1x64x32xi32, #tpu.memory_space<vmem>>, vector<1x64x32xi32>,
    %swap3A_296 = arith.constant 0 : index
    %swap3A_297 = arith.constant 0 : index
    %swap3A_298 = arith.constant 0 : index
    %swap3A_299 = vector.load %arg4[%swap3A_296, %swap3A_297, %swap3A_298] : memref<1x64x32xi32, #tpu.memory_space<vmem>>, vector<1x64x32xi32>
    %swap3A_300 = vector.shape_cast %swap3A_299 : vector<1x64x32xi32> to vector<64x32xi32>
    %swap3A_301 = vector.shape_cast %reduce_min3A_284 : vector<64x32xi32> to vector<1x64x32xi32>
    tpu.vector_store %arg4[%swap3A_296, %swap3A_297, %swap3A_298], %swap3A_301 {strides = array<i32>} : memref<1x64x32xi32, #tpu.memory_space<vmem>>, vector<1x64x32xi32>,
    %jit3A_302 = arith.constant 0.000000e+00 : f32
    %broadcast_in_dim3A_303 = vector.broadcast %jit3A_302 : f32 to vector<64x32x256xf32>
    %select_n3A_304 = arith.select %eq3A_271, %neg3A_253, %broadcast_in_dim3A_303 : vector<64x32x256xi1>, vector<64x32x256xf32>
    %reduce_sum3A = arith.constant dense<0.000000e+00> : vector<64x32xf32>
    %reduce_sum3A_305 = vector.multi_reduction <add>, %select_n3A_304, %reduce_sum3A [2] : vector<64x32x256xf32> to vector<64x32xf32>
    %swap3A_306 = arith.constant 0 : index
    %swap3A_307 = arith.constant 0 : index
    %swap3A_308 = arith.constant 0 : index
    %swap3A_309 = vector.load %arg5[%swap3A_306, %swap3A_307, %swap3A_308] : memref<1x64x32xf32, #tpu.memory_space<vmem>>, vector<1x64x32xf32>
    %swap3A_310 = vector.shape_cast %swap3A_309 : vector<1x64x32xf32> to vector<64x32xf32>
    %swap3A_311 = vector.shape_cast %reduce_sum3A_305 : vector<64x32xf32> to vector<1x64x32xf32>
    tpu.vector_store %arg5[%swap3A_306, %swap3A_307, %swap3A_308], %swap3A_311 {strides = array<i32>} : memref<1x64x32xf32, #tpu.memory_space<vmem>>, vector<1x64x32xf32>,
    %jit3A_312 = arith.constant 0.000000e+00 : f32
    %broadcast_in_dim3A_313 = vector.broadcast %jit3A_312 : f32 to vector<64x32x256xf32>
    %select_n3A_314 = arith.select %eq3A_287, %neg3A_253, %broadcast_in_dim3A_313 : vector<64x32x256xi1>, vector<64x32x256xf32>
    %reduce_sum3A_315 = arith.constant dense<0.000000e+00> : vector<64x32xf32>
    %reduce_sum3A_316 = vector.multi_reduction <add>, %select_n3A_314, %reduce_sum3A_315 [2] : vector<64x32x256xf32> to vector<64x32xf32>
    %swap3A_317 = arith.constant 0 : index
    %swap3A_318 = arith.constant 0 : index
    %swap3A_319 = arith.constant 0 : index
    %swap3A_320 = vector.load %arg6[%swap3A_317, %swap3A_318, %swap3A_319] : memref<1x64x32xf32, #tpu.memory_space<vmem>>, vector<1x64x32xf32>
    %swap3A_321 = vector.shape_cast %swap3A_320 : vector<1x64x32xf32> to vector<64x32xf32>
    %swap3A_322 = vector.shape_cast %reduce_sum3A_316 : vector<64x32xf32> to vector<1x64x32xf32>
    tpu.vector_store %arg6[%swap3A_317, %swap3A_318, %swap3A_319], %swap3A_322 {strides = array<i32>} : memref<1x64x32xf32, #tpu.memory_space<vmem>>, vector<1x64x32xf32>,
    %jit3A_323 = arith.constant 0.000000e+00 : f32
    %broadcast_in_dim3A_324 = vector.broadcast %jit3A_323 : f32 to vector<64x32x256xf32>
    %select_n3A_325 = arith.select %eq3A_271, %broadcast_in_dim3A_290, %broadcast_in_dim3A_324 : vector<64x32x256xi1>, vector<64x32x256xf32>
    %reduce_sum3A_326 = arith.constant dense<0.000000e+00> : vector<64x32xf32>
    %reduce_sum3A_327 = vector.multi_reduction <add>, %select_n3A_325, %reduce_sum3A_326 [2] : vector<64x32x256xf32> to vector<64x32xf32>
    %swap3A_328 = arith.constant 0 : index
    %swap3A_329 = arith.constant 0 : index
    %swap3A_330 = arith.constant 0 : index
    %swap3A_331 = vector.load %arg7[%swap3A_328, %swap3A_329, %swap3A_330] : memref<1x64x32xf32, #tpu.memory_space<vmem>>, vector<1x64x32xf32>
    %swap3A_332 = vector.shape_cast %swap3A_331 : vector<1x64x32xf32> to vector<64x32xf32>
    %swap3A_333 = vector.shape_cast %reduce_sum3A_327 : vector<64x32xf32> to vector<1x64x32xf32>
    tpu.vector_store %arg7[%swap3A_328, %swap3A_329, %swap3A_330], %swap3A_333 {strides = array<i32>} : memref<1x64x32xf32, #tpu.memory_space<vmem>>, vector<1x64x32xf32>,
    %jit3A_334 = arith.constant 0.000000e+00 : f32
    %broadcast_in_dim3A_335 = vector.broadcast %jit3A_334 : f32 to vector<64x32x256xf32>
    %select_n3A_336 = arith.select %eq3A_287, %broadcast_in_dim3A_290, %broadcast_in_dim3A_335 : vector<64x32x256xi1>, vector<64x32x256xf32>
    %reduce_sum3A_337 = arith.constant dense<0.000000e+00> : vector<64x32xf32>
    %reduce_sum3A_338 = vector.multi_reduction <add>, %select_n3A_336, %reduce_sum3A_337 [2] : vector<64x32x256xf32> to vector<64x32xf32>
    %swap3A_339 = arith.constant 0 : index
    %swap3A_340 = arith.constant 0 : index
    %swap3A_341 = arith.constant 0 : index
    %swap3A_342 = vector.load %arg8[%swap3A_339, %swap3A_340, %swap3A_341] : memref<1x64x32xf32, #tpu.memory_space<vmem>>, vector<1x64x32xf32>
    %swap3A_343 = vector.shape_cast %swap3A_342 : vector<1x64x32xf32> to vector<64x32xf32>
    %swap3A_344 = vector.shape_cast %reduce_sum3A_338 : vector<64x32xf32> to vector<1x64x32xf32>
    tpu.vector_store %arg8[%swap3A_339, %swap3A_340, %swap3A_341], %swap3A_344 {strides = array<i32>} : memref<1x64x32xf32, #tpu.memory_space<vmem>>, vector<1x64x32xf32>,
    return
  }
  func.func @transform_0(%arg0: i32) -> (i32, i32) {
    %c0_i32 = arith.constant 0 : i32
    %c0_i32_0 = arith.constant 0 : i32
    %c0_i32_1 = arith.constant 0 : i32
    return %c0_i32, %c0_i32_0 : i32, i32
  }
  func.func @transform_1(%arg0: i32) -> (i32, i32) {
    %c0_i32 = arith.constant 0 : i32
    %c0_i32_0 = arith.constant 0 : i32
    %c0_i32_1 = arith.constant 0 : i32
    return %c0_i32, %c0_i32_0 : i32, i32
  }
  func.func @transform_2(%arg0: i32) -> (i32, i32, i32) {
    %c0_i32 = arith.constant 0 : i32
    %c0_i32_0 = arith.constant 0 : i32
    %c0_i32_1 = arith.constant 0 : i32
    return %arg0, %c0_i32, %c0_i32_0 : i32, i32, i32
  }
  func.func @transform_3(%arg0: i32) -> (i32, i32, i32) {
    %c0_i32 = arith.constant 0 : i32
    %c0_i32_0 = arith.constant 0 : i32
    %c0_i32_1 = arith.constant 0 : i32
    return %arg0, %c0_i32, %c0_i32_0 : i32, i32, i32
  }
  func.func @transform_4(%arg0: i32) -> (i32, i32, i32) {
    %c0_i32 = arith.constant 0 : i32
    %c0_i32_0 = arith.constant 0 : i32
    %c0_i32_1 = arith.constant 0 : i32
    return %arg0, %c0_i32, %c0_i32_0 : i32, i32, i32
  }
  func.func @transform_5(%arg0: i32) -> (i32, i32, i32) {
    %c0_i32 = arith.constant 0 : i32
    %c0_i32_0 = arith.constant 0 : i32
    %c0_i32_1 = arith.constant 0 : i32
    return %arg0, %c0_i32, %c0_i32_0 : i32, i32, i32
  }
  func.func @transform_6(%arg0: i32) -> (i32, i32, i32) {
    %c0_i32 = arith.constant 0 : i32
    %c0_i32_0 = arith.constant 0 : i32
    %c0_i32_1 = arith.constant 0 : i32
    return %arg0, %c0_i32, %c0_i32_0 : i32, i32, i32
  }
  func.func @transform_7(%arg0: i32) -> (i32, i32, i32) {
    %c0_i32 = arith.constant 0 : i32
    %c0_i32_0 = arith.constant 0 : i32
    %c0_i32_1 = arith.constant 0 : i32
    return %arg0, %c0_i32, %c0_i32_0 : i32, i32, i32
  }
}

module attributes {stable_mosaic.version = 14 : i64} {
  func.func @_emit_body(%arg0: memref<64x32x256xf32, #tpu.memory_space<vmem>>, %arg1: memref<32x256xf32, #tpu.memory_space<vmem>>, %arg2: memref<64x32xi32, #tpu.memory_space<vmem>>, %arg3: memref<64x32xf32, #tpu.memory_space<vmem>>, %arg4: memref<64x32xf32, #tpu.memory_space<vmem>>, %arg5: memref<64x16xf32, #tpu.memory_space<vmem>>, %arg6: memref<64x16xf32, #tpu.memory_space<vmem>>, %arg7: memref<64x32x256xf32, #tpu.memory_space<vmem>>) attributes {dimension_semantics = [], scalar_prefetch = 0 : i64, scratch_operands = 0 : i64, tpu.core_type = #tpu.core_type<tc>} {
    %get3A = arith.constant 0 : index
    %get3A_0 = arith.constant 0 : index
    %get3A_1 = arith.constant 0 : index
    %get3A_2 = vector.load %arg0[%get3A, %get3A_0, %get3A_1] : memref<64x32x256xf32, #tpu.memory_space<vmem>>, vector<64x32x256xf32>
    %get3A_3 = arith.constant 0 : index
    %get3A_4 = arith.constant 0 : index
    %get3A_5 = vector.load %arg1[%get3A_3, %get3A_4] : memref<32x256xf32, #tpu.memory_space<vmem>>, vector<32x256xf32>
    %get3A_6 = arith.constant 0 : index
    %get3A_7 = arith.constant 0 : index
    %get3A_8 = vector.load %arg2[%get3A_6, %get3A_7] : memref<64x32xi32, #tpu.memory_space<vmem>>, vector<64x32xi32>
    %iota3A = tpu.iota {dimensions = array<i32: 2>} : vector<64x32x256xi32>
    %broadcast_in_dim3A = vector.shape_cast %get3A_8 : vector<64x32xi32> to vector<64x32x1xi32>
    %eq3A = vector.broadcast %broadcast_in_dim3A : vector<64x32x1xi32> to vector<64x32x256xi32>
    %eq3A_9 = arith.cmpi eq, %iota3A, %eq3A : vector<64x32x256xi32>
    %convert_element_type3A = arith.extui %eq3A_9 : vector<64x32x256xi1> to vector<64x32x256xi32>
    %convert_element_type3A_10 = arith.sitofp %convert_element_type3A : vector<64x32x256xi32> to vector<64x32x256xf32>
    %broadcast_in_dim3A_11 = vector.shape_cast %get3A_5 : vector<32x256xf32> to vector<1x32x256xf32>
    %mul3A = vector.broadcast %broadcast_in_dim3A_11 : vector<1x32x256xf32> to vector<64x32x256xf32>
    %mul3A_12 = arith.mulf %get3A_2, %mul3A : vector<64x32x256xf32>
    %reduce_sum3A = arith.constant dense<0.000000e+00> : vector<64x32xf32>
    %reduce_sum3A_13 = vector.multi_reduction <add>, %mul3A_12, %reduce_sum3A [2] : vector<64x32x256xf32> to vector<64x32xf32>
    %reduce_sum3A_14 = arith.constant dense<0.000000e+00> : vector<64xf32>
    %reduce_sum3A_15 = vector.multi_reduction <add>, %reduce_sum3A_13, %reduce_sum3A_14 [1] : vector<64x32xf32> to vector<64xf32>
    %broadcast_in_dim3A_16 = vector.shape_cast %get3A_5 : vector<32x256xf32> to vector<1x32x256xf32>
    %mul3A_17 = vector.broadcast %broadcast_in_dim3A_16 : vector<1x32x256xf32> to vector<64x32x256xf32>
    %mul3A_18 = arith.mulf %convert_element_type3A_10, %mul3A_17 : vector<64x32x256xf32>
    %reduce_sum3A_19 = arith.constant dense<0.000000e+00> : vector<64x32xf32>
    %reduce_sum3A_20 = vector.multi_reduction <add>, %mul3A_18, %reduce_sum3A_19 [2] : vector<64x32x256xf32> to vector<64x32xf32>
    %reduce_sum3A_21 = arith.constant dense<0.000000e+00> : vector<64xf32>
    %reduce_sum3A_22 = vector.multi_reduction <add>, %reduce_sum3A_20, %reduce_sum3A_21 [1] : vector<64x32xf32> to vector<64xf32>
    %get3A_23 = arith.constant 0 : index
    %get3A_24 = arith.constant 0 : index
    %get3A_25 = vector.load %arg5[%get3A_23, %get3A_24] : memref<64x16xf32, #tpu.memory_space<vmem>>, vector<64x1xf32>
    %get3A_26 = vector.shape_cast %get3A_25 : vector<64x1xf32> to vector<64xf32>
    %get3A_27 = arith.constant 0 : index
    %get3A_28 = arith.constant 0 : index
    %get3A_29 = vector.load %arg3[%get3A_27, %get3A_28] : memref<64x32xf32, #tpu.memory_space<vmem>>, vector<64x32xf32>
    %log3A = math.log %get3A_29 : vector<64x32xf32>
    %reduce_sum3A_30 = arith.constant dense<0.000000e+00> : vector<64xf32>
    %reduce_sum3A_31 = vector.multi_reduction <add>, %log3A, %reduce_sum3A_30 [1] : vector<64x32xf32> to vector<64xf32>
    %sub3A = arith.subf %get3A_26, %reduce_sum3A_31 : vector<64xf32>
    %add3A = arith.addf %sub3A, %reduce_sum3A_15 : vector<64xf32>
    %get3A_32 = arith.constant 0 : index
    %get3A_33 = arith.constant 1 : index
    %get3A_34 = vector.load %arg5[%get3A_32, %get3A_33] : memref<64x16xf32, #tpu.memory_space<vmem>>, vector<64x1xf32>
    %get3A_35 = vector.shape_cast %get3A_34 : vector<64x1xf32> to vector<64xf32>
    %get3A_36 = arith.constant 0 : index
    %get3A_37 = arith.constant 0 : index
    %get3A_38 = vector.load %arg4[%get3A_36, %get3A_37] : memref<64x32xf32, #tpu.memory_space<vmem>>, vector<64x32xf32>
    %log3A_39 = math.log %get3A_38 : vector<64x32xf32>
    %reduce_sum3A_40 = arith.constant dense<0.000000e+00> : vector<64xf32>
    %reduce_sum3A_41 = vector.multi_reduction <add>, %log3A_39, %reduce_sum3A_40 [1] : vector<64x32xf32> to vector<64xf32>
    %sub3A_42 = arith.subf %get3A_35, %reduce_sum3A_41 : vector<64xf32>
    %add3A_43 = arith.addf %sub3A_42, %reduce_sum3A_22 : vector<64xf32>
    %sub3A_44 = arith.subf %add3A_43, %add3A : vector<64xf32>
    %exp3A = math.exp %sub3A_44 : vector<64xf32>
    %get3A_45 = arith.constant 0 : index
    %get3A_46 = arith.constant 0 : index
    %get3A_47 = vector.load %arg6[%get3A_45, %get3A_46] : memref<64x16xf32, #tpu.memory_space<vmem>>, vector<64x1xf32>
    %get3A_48 = vector.shape_cast %get3A_47 : vector<64x1xf32> to vector<64xf32>
    %ge3A = arith.cmpf oge, %exp3A, %get3A_48 : vector<64xf32>
    %convert_element_type3A_49 = arith.extui %ge3A : vector<64xi1> to vector<64xi32>
    %convert_element_type3A_50 = arith.sitofp %convert_element_type3A_49 : vector<64xi32> to vector<64xf32>
    %broadcast_in_dim3A_51 = vector.shape_cast %convert_element_type3A_50 : vector<64xf32> to vector<64x1x1xf32>
    %mul3A_52 = vector.broadcast %broadcast_in_dim3A_51 : vector<64x1x1xf32> to vector<64x32x256xf32>
    %mul3A_53 = arith.mulf %convert_element_type3A_10, %mul3A_52 : vector<64x32x256xf32>
    %sub3A_54 = arith.constant 1.000000e+00 : f32
    %sub3A_55 = vector.broadcast %sub3A_54 : f32 to vector<64x1x1xf32>
    %sub3A_56 = arith.subf %sub3A_55, %broadcast_in_dim3A_51 : vector<64x1x1xf32>
    %mul3A_57 = vector.broadcast %sub3A_56 : vector<64x1x1xf32> to vector<64x32x256xf32>
    %mul3A_58 = arith.mulf %mul3A_57, %get3A_2 : vector<64x32x256xf32>
    %add3A_59 = arith.addf %mul3A_53, %mul3A_58 : vector<64x32x256xf32>
    %swap3A = arith.constant 0 : index
    %swap3A_60 = arith.constant 0 : index
    %swap3A_61 = arith.constant 0 : index
    %swap3A_62 = vector.load %arg7[%swap3A, %swap3A_60, %swap3A_61] : memref<64x32x256xf32, #tpu.memory_space<vmem>>, vector<64x32x256xf32>
    tpu.vector_store %arg7[%swap3A, %swap3A_60, %swap3A_61], %add3A_59 {strides = array<i32>} : memref<64x32x256xf32, #tpu.memory_space<vmem>>, vector<64x32x256xf32>,
    return
  }
}

</mosaic_0001>

<sc_bundles>
// kernel: kernel.10.cloned.1.call-start
scs
__scs_entry_jumppad:
0x0: {  	(pc) =	sbr.rel $0x88, $3  }
0x1: {  	(tag) =	ssettag $0x0;
	lr =	simm.s32 $0x1  }
0x2: {  	[smem:$0x3F9F] =	sst lr;
	_ =	strace $0xD0000000  }
0x3: {  	_ = 	snop  }
0x4: {  	_ = 	snop  }
0x5: {  	_ = 	snop  }
0x6: {  	_ = 	snop  }
0x7: {  	_ = 	snop  }
__scs_overlays_trampoline_lowered:
0x8: {  	[smem:$0x3FAE] =	sst s0  }
0x9: {  	[smem:$0x3FAF] =	sst s1  }
0xa: {  	[smem:$0x3FB0] =	sst s2  }
0xb: {  	[smem:$0x3FB1] =	sst s3  }
0xc: {  	[smem:$0x3FB2] =	sst s4  }
0xd: {  	[smem:$0x3FB3] =	sst s5  }
0xe: {  	[smem:$0x3FB4] =	sst s6  }
0xf: {  	[smem:$0x3FB5] =	sst s7  }
0x10: {  	[smem:$0x3FB6] =	sst s8  }
0x11: {  	[smem:$0x3FB7] =	sst s9;
	s0 =	simm.s32 @!p0 $0x0  }
0x12: {  	s1 =	sld [smem:$0x3F9D];
	s0 =	simm.s32 @p0 $0x1  }
0x13: {  	[smem:$0x3FB8] =	sst s0;
	s0 =	simm.s32 @!p1 $0x0  }
0x14: {  	s2 =	sld [smem:$0x3F9C];
	s0 =	simm.s32 @p1 $0x1  }
0x15: {  	[smem:$0x3FB9] =	sst s0;
	s0 =	simm.s32 @!p2 $0x0  }
0x16: {  	s3 =	sld [smem:$0x3FDB];
	s0 =	simm.s32 @p2 $0x1  }
0x17: {  	s4 =	simm.s32 $0x1BF5;
	[smem:$0x3FBB] =	sst s0  }
0x18: {  	s0 =	sld [smem:$0x3F9E];
	_ =	swait.ge [sflag:s4], $0x0  }
0x19: {  	s7 =	sld [smem:$0x3F9F]  }
0x1a: {  	s8 =	sadd.s32 $0xFFFFE003, lr  }
0x1b: {  	s9 =	sadd.s32 $0xFFFFFEF7, lr;
	s5 =	simm.s32 $0xFFFFFFFF;
	p2 =	slt.u32 s8, $0xFFFFF086  }
0x1c: {  	p1 =	slt.u32 s9, $0xF7A;
	s5 =	simm.s32 @!p2 $0x0  }
0x1d: {  	s5 =	simm.s32 @p1 $0x1;
	p0 =	seq.s32 s7, s2  }
0x1e: {  	s7 =	smul.u32 @!p0 $0xF7A, s2;
	p2 =	seq.s32 @!p0 s5, $0x0  }
0x1f: {  	s9 =	smul.u32 $0xF7A, s1;
	s8 =	simm.s32 @!p0 $0x1BF5;
	p2 =	por !p2, p0  }
0x20: {  	[sflag:s8] =	ssyncset.s32 @!p0 $0xFFFFF086;
	s6 =	sadd.s32 @!p0 s3, s7;
	s7 =	simm.s32 @!p0 $0x108  }
0x21: {  	s3 =	sadd.s32 s3, s9;
	s6 =	sadd.s32 @!p0 $0x88, s6;
	s7 =	simm.s32 @p2 $0x1082  }
0x22: {  	[simem:s7], [sflag:s8] =	dma.local @!p0 [hbm:s6], $0xF7A  }
0x23: {  	s9 =	sor.u32 $0xD0000000, s2;
	s6 =	simm.s32 $0x108;
	_ =	swait.ge @!p0 [sflag:s8], $0x0  }
0x24: {  	s3 =	sadd.s32 $0x88, s3;
	s6 =	simm.s32 @!p1 $0x1082;
	[sflag:s4] =	ssyncset.s32 $0xFFFFF086  }
0x25: {  	[simem:s6], [sflag:s4] =	dma.local [hbm:s3], $0xF7A  }
0x26: {  	[smem:$0x3F9F] =	sst s1;
	(tag) =	ssettag s2;
	_ =	strace s9  }
0x27: {  	s1 =	sld [smem:$0x3FAF]  }
0x28: {  	s2 =	sld [smem:$0x3FB0]  }
0x29: {  	s4 =	sld [smem:$0x3FB2]  }
0x2a: {  	p0 =	seq.s32 s5, $0x0;
	s5 =	sld [smem:$0x3FB3]  }
0x2b: {  	s6 =	sld [smem:$0x3FB4]  }
0x2c: {  	s7 =	sld [smem:$0x3FB5]  }
0x2d: {  	s3 =	simm.s32 $0x108;
	s8 =	sld [smem:$0x3FB6]  }
0x2e: {  	s3 =	simm.s32 @!p0 $0x1082;
	s9 =	sld [smem:$0x3FB7]  }
0x2f: {  	lr =	sadd.s32 s0, s3;
	s0 =	sld [smem:$0x3FAE]  }
0x30: {  	s3 =	sld [smem:$0x3FB1]  }
0x31: {  	[smem:$0x3FBA] =	sst s10  }
0x32: {  	s10 =	sld [smem:$0x3FB8];
	_ =	sdelay $0x3  }
0x33: {  	p0 =	seq.s32 s10, $0x1;
	s10 =	sld [smem:$0x3FBA];
	_ =	sdelay $0x3  }
0x34: {  	[smem:$0x3FBA] =	sst s10  }
0x35: {  	s10 =	sld [smem:$0x3FB9];
	_ =	sdelay $0x3  }
0x36: {  	p1 =	seq.s32 s10, $0x1;
	s10 =	sld [smem:$0x3FBA];
	_ =	sdelay $0x3  }
0x37: {  	[smem:$0x3FBA] =	sst s10  }
0x38: {  	s10 =	sld [smem:$0x3FBB]  }
0x39: {  	_ = 	snop;
	(pc) =	sbr.ind lr, $3  }
0x3a: {  	_ = 	snop  }
0x3b: {  	_ = 	snop  }
0x3c: {  	p2 =	seq.s32 s10, $0x1;
	s10 =	sld [smem:$0x3FBA]  }
0x3d: {  	_ =	shalt  }
0x3e: {  	_ =	shalt  }
0x3f: {  	_ =	shalt  }
0x40: {  	_ =	shalt  }
0x41: {  	_ =	shalt  }
0x42: {  	_ =	shalt  }
0x43: {  	_ =	shalt  }
0x44: {  	_ =	shalt  }
0x45: {  	_ =	shalt  }
0x46: {  	_ =	shalt  }
0x47: {  	_ =	shalt  }
0x48: {  	_ =	shalt  }
0x49: {  	_ =	shalt  }
0x4a: {  	_ =	shalt  }
0x4b: {  	_ =	shalt  }
0x4c: {  	_ =	shalt  }
0x4d: {  	_ =	shalt  }
0x4e: {  	_ =	shalt  }
0x4f: {  	_ =	shalt  }
0x50: {  	_ =	shalt  }
0x51: {  	_ =	shalt  }
0x52: {  	_ =	shalt  }
0x53: {  	_ =	shalt  }
0x54: {  	_ =	shalt  }
0x55: {  	_ =	shalt  }
0x56: {  	_ =	shalt  }
0x57: {  	_ =	shalt  }
0x58: {  	_ =	shalt  }
0x59: {  	_ =	shalt  }
0x5a: {  	_ =	shalt  }
0x5b: {  	_ =	shalt  }
0x5c: {  	_ =	shalt  }
0x5d: {  	_ =	shalt  }
0x5e: {  	_ =	shalt  }
0x5f: {  	_ =	shalt  }
0x60: {  	_ =	shalt  }
0x61: {  	_ =	shalt  }
0x62: {  	_ =	shalt  }
0x63: {  	_ =	shalt  }
0x64: {  	_ =	shalt  }
0x65: {  	_ =	shalt  }
0x66: {  	_ =	shalt  }
0x67: {  	_ =	shalt  }
0x68: {  	_ =	shalt  }
0x69: {  	_ =	shalt  }
0x6a: {  	_ =	shalt  }
0x6b: {  	_ =	shalt  }
0x6c: {  	_ =	shalt  }
0x6d: {  	_ =	shalt  }
0x6e: {  	_ =	shalt  }
0x6f: {  	_ =	shalt  }
0x70: {  	_ =	shalt  }
0x71: {  	_ =	shalt  }
0x72: {  	_ =	shalt  }
0x73: {  	_ =	shalt  }
0x74: {  	_ =	shalt  }
0x75: {  	_ =	shalt  }
0x76: {  	_ =	shalt  }
0x77: {  	_ =	shalt  }
0x78: {  	_ =	shalt  }
0x79: {  	_ =	shalt  }
0x7a: {  	_ =	shalt  }
0x7b: {  	_ =	shalt  }
0x7c: {  	_ =	shalt  }
0x7d: {  	_ =	shalt  }
0x7e: {  	_ =	shalt  }
0x7f: {  	_ =	shalt  }
0x80: {  	_ =	shalt  }
0x81: {  	_ =	shalt  }
0x82: {  	_ =	shalt  }
0x83: {  	_ =	shalt  }
0x84: {  	_ =	shalt  }
0x85: {  	_ =	shalt  }
0x86: {  	_ =	shalt  }
0x87: {  	_ =	shalt  }
.Lfunc_end0:
.L_simem_size_0:
called_computation_lowered:
.L_overlay_start_0:
0x88: {  	s2 =	sld [smem:$0x3FD9]  }
0x89: {  	s3 =	sld [smem:$0x3FFE];
	_ =	sdelay $0x1  }
0x8a: {  	s1 =	srdreg.scid  }
0x8b: {  	s0 =	sand.u32 $0x1, s1  }
0x8c: {  	s17 =	sshll.u32 s0, $0xA;
	s2 =	sadd.s32 s3, s2  }
0x8d: {  	s2 =	sadd.s32 s2, s17  }
0x8e: {  	[smem:$0x3FC6] =	sst s2  }
0x8f: {  	_ = 	snop  }
0x90: {  	s2 =	sld [smem:$0x3FD0];
	(tm) =	ssettm $0x1  }
0x91: {  	s18 =	sld [smem:$0x3FFB];
	_ =	sdelay $0x3  }
0x92: {  	_ =	strace s18  }
0x93: {  	s3 =	sld [smem:$0x3FFC];
	_ =	sdelay $0x3  }
0x94: {  	_ =	strace s3  }
0x95: {  	s3 =	sld [smem:$0x3FFD];
	_ =	sdelay $0x3  }
0x96: {  	_ =	strace s3  }
0x97: {  	_ =	strace $0x8FFFFFFF  }
0x98: {  	s19 =	sld [smem:$0x3FDB];
	_ =	sdelay $0x1  }
0x99: {  	s4 =	simm.s32 $_scs_section_size  }
0x9a: {  	s5 =	simm.s32 $_size__tile_overlayer_lowered;
	s6 =	simm.s32 $_tile_overlayer_lowered  }
0x9b: {  	s22 =	simm.s32 $0x1BFF;
	s21 =	sshll.u32 s6, $0x1;
	s3 =	sadd.s32 s4, s19  }
0x9c: {  	s7 =	simm.s32 $0x0;
	s20 =	sshll.u32 s5, $0x1;
	s5 =	sadd.s32 s21, s3  }
0x9d: {  	[timem:s7], [sflag:s22] =	dma.local [hbm:s5], s20  }
0x9e: {  	_ =	swait.ge [sflag:s22], s20  }
0x9f: {  	s4 =	ssub.s32 $0x0, s20;
	[sflag:s22] =	ssyncset.done $0x0  }
0xa0: {  	[sflag:s22] =	ssyncadd.s32 s4;
	_ =	sdelay $0x1  }
0xa1: {  	s23 =	simm.s32 $0x1B8B  }
0xa2: {  	_ =	swait.ge [sflag:s23], $0x1  }
0xa3: {  	[sflag:s23] =	ssyncset.done $0x0  }
0xa4: {  	s25 =	simm.s32 $0x1B8E;
	s24 =	sld [smem:$0x3FFE];
	[sflag:s23] =	ssyncadd.s32 $0xFFFFFFFF  }
0xa5: {  	s26 =	simm.s32 $execute0_lowered;
	[smem:$0x3FD2] =	sst s25  }
0xa6: {  	s5 =	sshll.u32 s26, $0x1;
	_ =	strace $0x80000046;
	[dreg:$0x1] =	wrdreg $0xFFFFFFFF  }
0xa7: {  	s28 =	simm.s32 $_size_execute0_lowered;
	s3 =	sadd.s32 s3, s5;
	[dreg:$0x0] =	wrdreg $0x0  }
0xa8: {  	s5 =	sshll.u32 s28, $0x1;
	[dreg:$0x2] =	wrdreg s3  }
0xa9: {  	[dreg:$0x3] =	wrdreg s5  }
0xaa: {  	[dreg:$0x4] =	wrdreg $0xC0  }
0xab: {  	_ =	task [dreg:s7], $0x5FFFF  }
0xac: {  	[dreg:$0x1] =	wrdreg $0xFFFFFFFF  }
0xad: {  	[dreg:$0x0] =	wrdreg $0x60  }
0xae: {  	[dreg:$0x2] =	wrdreg s2  }
0xaf: {  	[dreg:$0x3] =	wrdreg s24  }
0xb0: {  	[dreg:$0x4] =	wrdreg $0x9  }
0xb1: {  	_ =	task.clear_ibuf [dreg:s7], $0x5FFFF;
	_ =	strace $0x90000046  }
0xb2: {  	s29 =	simm.s32 $0x9;
	_ =	strace $0x80000048  }
0xb3: {  	_ =	swait.ge [sflag:s29], $0x1  }
0xb4: {  	[sflag:s29] =	ssyncadd.s32 $0xFFFFFFFF  }
0xb5: {  	_ =	strace $0x90000048  }
0xb6: {  	_ =	sfence  }
0xb7: {  	s30 =	sld [smem:$0x0];
	_ =	sdelay $0x2  }
0xb8: {  	s31 =	sshll.u32 s1, $0xD;
	s1 =	sshrl.u32 s1, $0x2  }
0xb9: {  	s3 =	sand.u32 $0x4000, s31;
	s1 =	sadd.s32 s1, s30  }
0xba: {  	s0 =	sor.u32 s3, s0;
	s1 =	sshll.u32 s1, $0x11  }
0xbb: {  	s0 =	sor.u32 s1, s0  }
0xbc: {  	s0 =	sadd.s32 $0x8F2B, s0  }
0xbd: {  	[sflag:s0] =	ssyncadd.remote.s32 $0x1  }
0xbe: {  	_ =	sfence.sel $0xFFFF  }
0xbf: {  	[dreg:$0x0] =	wrdreg $0xFFFFFFFF;
	(pc) =	sbr.abs _section_cstart, $3  }
0xc0: {  	[dreg:$0x1] =	wrdreg $0xFFFFFFFF  }
0xc1: {  	_ =	task.clear_ibuf [dreg:s7], $0x2FFFF;
	_ =	strace $0x9FFFFFFF  }
0xc2: {  	(tm) =	ssettm $0x7FFFFFFF  }
0xc3: {  	_ =	shalt  }
tec
execute0_lowered:
.L_overlay_start_1:
0x0: {  	(tag) =	ssettag $0x1  }
0x1: {  	s0 =	rddreg [dreg:$0x0]  }
0x2: {  	s1 =	rddreg [dreg:$0x1];
	s2 =	simm.s32 $0x0  }
0x3: {  	s3 =	srdreg.scid;
	s4 =	stileid.u32;
	s18 =	simm.s32 $0x100  }
0x4: {  	s19 =	simm.s32 $0x2000;
	s20 =	simm.s32 $0x1;
	s28 =	simm.s32 $0x7300  }
0x5: {  	s21 =	simm.s32 $0x0;
	[smem:$0x7FF] =	sst s2;
	s3 =	sand.u32 $0x1, s3  }
0x6: {  	s4 =	sshll.u32 s4, $0x6;
	s29 =	sadd.s32 $0x1C000, s1;
	s5 =	sshll.u32 s3, $0x5  }
0x7: {  	s6 =	ssub.s32 $0x2, s3;
	_ =	strace $0x80000047;
	s4 =	sor.u32 s5, s4  }
0x8: {  	[dreg:$0x7] =	wrdreg s29;
	s26 =	sshrl.u32 s6, $0x1;
	s0 =	sadd.s32 s0, s4  }
0x9: {  	s1 =	sadd.s32 s4, s1;
	s17 =	ssub.s32 s6, s26;
	[dreg:$0x8] =	wrdreg s0  }
0xa: {  	s30 =	sadd.s32 $0x3C00, s1;
	s31 =	sadd.s32 $0x8800, s1;
	s7 =	sadd.s32 $0xD400, s1  }
0xb: {  	s8 =	sadd.s32 $0x12000, s1;
	s9 =	sadd.s32 $0x16C00, s1;
	s10 =	sadd.s32 $0x1B800, s1  }
0xc: {  	v0 =	vimm.f32 $1.000000000e+00;
	v1 =	vimm.f32 $0.0e+00;
	v2 =	vlaneseq.u32;
	s11 =	sadd.s32 $0x1BC00, s1;
	s12 =	sadd.s32 $0x3800, s1;
	s13 =	sadd.s32 $0x1C200, s1  }
0xd: {  	vm0 =	vmxor vm0, vm0;
	vm1 =	vcmask $0x300;
	vm2 =	vcmask $0x704;
	s14 =	sadd.s32 $0x1C600, s1;
	s15 =	sadd.s32 $0x1CA00, s1;
	[dreg:$0x9] =	wrdreg s30  }
0xe: {  	v3 =	vor.u32 $0x80000000, v2;
	v4 =	vor.u32 $0x80000010, v2;
	v5 =	vor.u32 $0x10, v2;
	s16 =	sadd.s32 $0x1CE00, s1;
	s17 =	smax.u32 s17, $0x1;
	[dreg:$0xa] =	wrdreg s31  }
.LBB2_1:
0xf: {  	s0 =	rddreg [dreg:$0x8]  }
0x10: {  	[tilespmem:s2], [sflag:$0x1] =	stream.strided.gather [hbm4b:s0+s18], $0x1300, s19, s18, $0x38;
	[tilespmem:$0x7880] =	vst v63  }
0x11: {  	_ =	swait.ge [sflag:s20], $0x1300  }
0x12: {  	[sflag:s20] =	ssyncset.done $0x0  }
0x13: {  	s1 =	simm.s32 $0x1300;
	s31 =	rddreg [dreg:$0x9];
	[sflag:s20] =	ssyncadd.s32 $0xFFFFED00  }
0x14: {  	[tilespmem:s1], [sflag:$0x1] =	stream.strided.gather [hbm4b:s31+s18], $0x1300, s19, s18, $0x38;
	[tilespmem:$0x7880] =	vst v63  }
0x15: {  	_ =	swait.ge [sflag:s20], $0x1300  }
0x16: {  	[sflag:s20] =	ssyncset.done $0x0  }
0x17: {  	s3 =	simm.s32 $0x2600;
	s1 =	rddreg [dreg:$0xa];
	[sflag:s20] =	ssyncadd.s32 $0xFFFFED00  }
0x18: {  	[tilespmem:s3], [sflag:$0x1] =	stream.strided.gather [hbm4b:s1+s18], $0x1300, s19, s18, $0x38;
	[tilespmem:$0x7880] =	vst v63  }
0x19: {  	_ =	swait.ge [sflag:s20], $0x1300  }
0x1a: {  	[sflag:s20] =	ssyncset.done $0x0  }
0x1b: {  	s4 =	simm.s32 $0x3900;
	[sflag:s20] =	ssyncadd.s32 $0xFFFFED00  }
0x1c: {  	[tilespmem:s4], [sflag:$0x1] =	stream.strided.gather [hbm4b:s7+s18], $0x1300, s19, s18, $0x38;
	[tilespmem:$0x7880] =	vst v63  }
0x1d: {  	_ =	swait.ge [sflag:s20], $0x1300  }
0x1e: {  	[sflag:s20] =	ssyncset.done $0x0  }
0x1f: {  	s5 =	simm.s32 $0x4C00;
	[sflag:s20] =	ssyncadd.s32 $0xFFFFED00  }
0x20: {  	[tilespmem:s5], [sflag:$0x1] =	stream.strided.gather [hbm4b:s8+s18], $0x1300, s19, s18, $0x38;
	[tilespmem:$0x7880] =	vst v63  }
0x21: {  	_ =	swait.ge [sflag:s20], $0x1300  }
0x22: {  	[sflag:s20] =	ssyncset.done $0x0  }
0x23: {  	s6 =	simm.s32 $0x5F00;
	[sflag:s20] =	ssyncadd.s32 $0xFFFFED00  }
0x24: {  	[tilespmem:s6], [sflag:$0x1] =	stream.strided.gather [hbm4b:s9+s18], $0x1300, s19, s18, $0x38;
	[tilespmem:$0x7880] =	vst v63  }
0x25: {  	_ =	swait.ge [sflag:s20], $0x1300  }
0x26: {  	[sflag:s20] =	ssyncset.done $0x0  }
0x27: {  	s22 =	simm.s32 $0x7200;
	[sflag:s20] =	ssyncadd.s32 $0xFFFFED00  }
0x28: {  	[tilespmem:s22], [sflag:$0x1] =	stream.linear.gather [hbm4b:s10+s2], $0x100, $0x38;
	[tilespmem:$0x7880] =	vst v63  }
0x29: {  	_ =	swait.ge [sflag:s20], $0x100  }
0x2a: {  	[sflag:s20] =	ssyncset.done $0x0  }
0x2b: {  	[sflag:s20] =	ssyncadd.s32 $0xFFFFFF00  }
0x2c: {  	[tilespmem:s28], [sflag:$0x1] =	stream.linear.gather [hbm4b:s11+s2], $0x100, $0x38;
	[tilespmem:$0x7880] =	vst v63  }
0x2d: {  	_ =	swait.ge [sflag:s20], $0x100  }
0x2e: {  	[sflag:s20] =	ssyncset.done $0x0  }
0x2f: {  	s24 =	simm.s32 $0x7400;
	s23 =	rddreg [dreg:$0x7];
	[sflag:s20] =	ssyncadd.s32 $0xFFFFFF00  }
0x30: {  	[tilespmem:s24], [sflag:$0x1] =	stream.linear.gather [hbm4b:s23+s2], $0x80, $0x38;
	[tilespmem:$0x7880] =	vst v63  }
0x31: {  	_ =	swait.ge [sflag:s20], $0x80  }
0x32: {  	[sflag:s20] =	ssyncset.done $0x0  }
0x33: {  	s25 =	simm.s32 $0x7480;
	[sflag:s20] =	ssyncadd.s32 $0xFFFFFF80  }
0x34: {  	[tilespmem:s25], [sflag:$0x1] =	stream.linear.gather [hbm4b:s12+s2], $0x100, $0x38;
	[tilespmem:$0x7880] =	vst v63  }
0x35: {  	_ =	swait.ge [sflag:s20], $0x100  }
0x36: {  	[sflag:s20] =	ssyncset.done $0x0  }
0x37: {  	[sflag:s20] =	ssyncadd.s32 $0xFFFFFF00  }
0x38: {  	v6 =	vld [tilespmem:$0x7480]  }
0x39: {  	v7 =	vld [tilespmem:$0x7500];
	_ =	sdelay $0x3  }
0x3a: {  	(v2sf) =	vpush v6, $0x0  }
0x3b: {  	(v2sf) =	vpush v7, $0x0  }
0x3c: {  	(v2sf) =	vpush v6, $0x1  }
0x3d: {  	(v2sf) =	vpush v7, $0x1;
	_ =	sdelay $0x6  }
0x3e: {  	[tilespmem:$0x7580] =	vst v0  }
0x3f: {  	[tilespmem:$0x7680] =	vst v0  }
0x40: {  	[tilespmem:$0x7590] =	vst v0  }
0x41: {  	[tilespmem:$0x7690] =	vst v0  }
0x42: {  	[tilespmem:$0x7780] =	vst v1  }
0x43: {  	s29 =	simm.s32 $0x2680;
	s30 =	simm.s32 $0x0;
	[tilespmem:$0x7600] =	vst v0;
	s22 =	spop (v2sf)  }
0x44: {  	s24 =	simm.s32 $0x5F80;
	[tilespmem:$0x7700] =	vst v0;
	s23 =	spop (v2sf);
	[dreg:$0x3] =	wrdreg s22  }
0x45: {  	s25 =	simm.s32 $0x4C80;
	[tilespmem:$0x7610] =	vst v0;
	s26 =	spop (v2sf);
	[dreg:$0x5] =	wrdreg s23  }
0x46: {  	[tilespmem:$0x7710] =	vst v0;
	s22 =	simm.s32 $0x1380;
	[dreg:$0x4] =	wrdreg s26;
	s31 =	spop (v2sf)  }
0x47: {  	[tilespmem:$0x7800] =	vst v1;
	s23 =	simm.s32 $0x80;
	s26 =	simm.s32 $0x3980;
	[dreg:$0x6] =	wrdreg s31  }
.LBB2_2:
0x48: {  	v6 =	vld [tilespmem:$0x7200]  }
0x49: {  	v7 =	vld [tilespmem:s29+$0xFFFFFF80]  }
0x4a: {  	v8 =	vld [tilespmem:s26+$0xFFFFFF80]  }
0x4b: {  	v9 =	vld [tilespmem:s25+$0xFFFFFF80]  }
0x4c: {  	v10 =	vld [tilespmem:s24+$0xFFFFFF80]  }
0x4d: {  	v11 =	vld [tilespmem:$0x7210]  }
0x4e: {  	v12 =	vld [tilespmem:s25+$0xFFFFFF90]  }
0x4f: {  	v13 =	vld [tilespmem:s24+$0xFFFFFF90]  }
0x50: {  	v14 =	vld [tilespmem:s23+$0xFFFFFF80]  }
0x51: {  	v15 =	vld [tilespmem:s22+$0xFFFFFF80]  }
0x52: {  	v16 =	vld [tilespmem:s29+$0xFFFFFF90]  }
0x53: {  	v19 =	vld [tilespmem:s26+$0xFFFFFF90]  }
0x54: {  	v20 =	vld [tilespmem:s23+$0xFFFFFF90];
	v17 =	vsub.f32 v9, v6;
	v18 =	vsub.f32 v10, v6  }
0x55: {  	v23 =	vld [tilespmem:s22+$0xFFFFFF90];
	v21 =	vsub.f32 v12, v11;
	v22 =	vsub.f32 v13, v11  }
0x56: {  	v17 =	vmul.f32 $5.000000000e-01, v17;
	v18 =	vmul.f32 $5.000000000e-01, v18  }
0x57: {  	v21 =	vmul.f32 $5.000000000e-01, v21;
	v22 =	vmul.f32 $5.000000000e-01, v22  }
0x58: {  	v7 =	vadd.f32 v17, v7;
	v8 =	vadd.f32 v18, v8  }
0x59: {  	v16 =	vadd.f32 v21, v16;
	v35 =	vadd.f32 v22, v19  }
0x5a: {  	vm5 =	vlt.s32 v14, v15;
	vm6 =	vlt.s32 v20, v23;
	vm4 =	veq.f32 v7, v8  }
0x5b: {  	vm3 =	vgt.f32 v7, v8;
	vm15 =	veq.f32 v16, v35;
	vm4 =	vmand vm5, vm4  }
0x5c: {  	vm5 =	vmand vm6, vm15;
	vm4 =	vmor vm3, vm4;
	vm3 =	vgt.f32 v16, v35  }
0x5d: {  	v7 =	vsel vm4, v7, v8;
	vm3 =	vmor vm3, vm5  }
0x5e: {  	v36 =	vsel vm3, v16, v35;
	(xrf0) =	vmax.scan.msk.f32 $0xffff, v7  }
0x5f: {  	(xrf0) =	vmax.scan.msk.f32 $0xffff, v36;
	_ =	sdelay $0x4  }
0x60: {  	v37, _, _ =	vpop (xrf0)  }
0x61: {  	(v2sf) =	vpush v37, $0xF;
	v38, _, _ =	vpop (xrf0)  }
0x62: {  	(v2sf) =	vpush v38, $0xF;
	_ =	sdelay $0xd  }
0x63: {  	s31 =	spop (v2sf)  }
0x64: {  	s0 =	spop (v2sf)  }
0x65: {  	s0 =	smax.f32 s31, s0  }
0x66: {  	vm8 =	veq.f32 v7, s0  }
0x67: {  	vm9 =	veq.f32 v36, s0;
	v7 =	vnsel vm8, $0x800003E7, v3  }
0x68: {  	(xrf0) =	vmin.scan.msk.u32 $0xffff, v7;
	v7 =	vnsel vm9, $0x800003E7, v4  }
0x69: {  	(xrf0) =	vmin.scan.msk.u32 $0xffff, v7;
	_ =	sdelay $0x4  }
0x6a: {  	v7, _, _ =	vpop (xrf0)  }
0x6b: {  	(v2sf) =	vpush v7, $0xF;
	v7, _, _ =	vpop (xrf0)  }
0x6c: {  	(v2sf) =	vpush v7, $0xF;
	_ =	sdelay $0x7  }
0x6d: {  	v7 =	vmul.f32 $-5.000000000e-01, v6;
	_ =	sdelay $0x1  }
0x6e: {  	v7 =	vmul.f32 $1.442695020e+00, v7;
	_ =	sdelay $0x1  }
0x6f: {  	(erf) = vpow2.f32 v7;
	_ =	sdelay $0x1  }
0x70: {  	s3 =	spop (v2sf)  }
0x71: {  	s4 =	spop (v2sf)  }
0x72: {  	s0 =	sxor.u32 $0x80000000, s3;
	s31 =	sxor.u32 $0x80000000, s4  }
0x73: {  	v7 =	vld [tilespmem:$0x7400];
	p0 =	slt.s32 s0, s31  }
0x74: {  	s31 =	smov.u32 @p0 s0  }
0x75: {  	v39 =	vmov s31  }
0x76: {  	v9 =	vsel vm4, v9, v10;
	vm10 =	veq.s32 v39, v2  }
0x77: {  	v40 =	vpop (erf);
	v9 =	vnsel vm10, $0x0, v9  }
0x78: {  	v7 =	vmul.f32 v7, v40;
	v41 =	vnsel vm10, $0x0, v6;
	(xrf2) =	vadd.scan.msk.f32 $0xffff, v9  }
0x79: {  	v42 =	vsel vm4, v14, v15;
	(xrf2) =	vadd.scan.msk.f32 $0xffff, v41  }
0x7a: {  	v43 =	vsel vm3, v12, v13;
	vm11 =	veq.s32 v39, v5;
	v10 =	vnsel vm10, $0x0, v42;
	(xrf2) =	vadd.scan.msk.f32 $0xffff, v7  }
0x7b: {  	(xrf0) =	vadd.scan.msk.s32 $0xffff, v10;
	v7 =	vnsel vm11, $0x0, v43  }
0x7c: {  	(xrf2) =	vadd.scan.msk.f32 $0xffff, v7  }
0x7d: {  	v7 =	vsel vm3, v20, v23  }
0x7e: {  	v7 =	vnsel vm11, $0x0, v7  }
0x7f: {  	(xrf0) =	vadd.scan.msk.s32 $0xffff, v7;
	_ =	sdelay $0x1  }
0x80: {  	v7, _, _ =	vpop (xrf0)  }
0x81: {  	(v2sf) =	vpush v7, $0xF;
	v7, _, _ =	vpop (xrf2)  }
0x82: {  	(v2sf) =	vpush v7, $0xF;
	v7, _, _ =	vpop (xrf2)  }
0x83: {  	(v2sf) =	vpush v7, $0xF;
	v7, _, _ =	vpop (xrf2)  }
0x84: {  	(v2sf) =	vpush v7, $0xF;
	v7, _, _ =	vpop (xrf0)  }
0x85: {  	(v2sf) =	vpush v7, $0xF;
	v7, _, _ =	vpop (xrf2)  }
0x86: {  	(v2sf) =	vpush v7, $0xF;
	_ =	sdelay $0x9  }
0x87: {  	s0 =	spop (v2sf)  }
0x88: {  	s5 =	spop (v2sf)  }
0x89: {  	s3 =	spop (v2sf)  }
0x8a: {  	s1 =	rddreg [dreg:$0x3];
	s4 =	spop (v2sf)  }
0x8b: {  	s31 =	sadd.f32 $0.0e+00, s5;
	s5 =	spop (v2sf)  }
0x8c: {  	p0 =	slt.s32 s30, s1;
	vm3 =	vmmov vm0;
	s6 =	spop (v2sf)  }
0x8d: {  	vm3 =	vmneg @p0 vm3;
	v7 =	vmul.f32 $-5.000000000e-01, v11;
	s1 =	sadd.f32 s31, s6  }
0x8e: {  	vm12 =	vmand vm3, vm10  }
0x8f: {  	v7 =	vmul.f32 $1.442695020e+00, v7;
	v6 =	vsel vm12, s1, v6  }
0x90: {  	vm3 =	vmand vm3, vm11;
	v44 =	vmul.f32 $-5.000000000e-01, v6  }
0x91: {  	(erf) = vpow2.f32 v7;
	v45 =	vsel vm3, s1, v11  }
0x92: {  	v46 =	vmul.f32 $-5.000000000e-01, v45;
	v8 =	vmul.f32 $1.442695020e+00, v44;
	_ =	sdelay $0x1  }
0x93: {  	v7 =	vmul.f32 $1.442695020e+00, v46;
	(erf) = vpow2.f32 v8;
	_ =	sdelay $0x1  }
0x94: {  	(erf) = vpow2.f32 v7;
	v7 =	vld [tilespmem:$0x7410];
	_ =	sdelay $0x2  }
0x95: {  	v47 =	vld [tilespmem:$0x7400];
	v48 =	vnsel vm11, $0x0, v11  }
0x96: {  	(xrf2) =	vadd.scan.msk.f32 $0xffff, v48;
	v50 =	vpop (erf)  }
0x97: {  	v49 =	vld [tilespmem:$0x7410];
	v7 =	vmul.f32 v7, v50;
	_ =	sdelay $0x1  }
0x98: {  	v51 =	vpop (erf)  }
0x99: {  	v8 =	vmul.f32 v51, v47  }
0x9a: {  	(xrf2) =	vadd.scan.msk.f32 $0xffff, v7;
	v7 =	vpop (erf)  }
0x9b: {  	v7 =	vmul.f32 v7, v49;
	(xrf2) =	vadd.scan.msk.f32 $0xffff, v8;
	_ =	sdelay $0x1  }
0x9c: {  	(xrf2) =	vadd.scan.msk.f32 $0xffff, v7;
	_ =	sdelay $0x1  }
0x9d: {  	v7, _, _ =	vpop (xrf2)  }
0x9e: {  	(v2sf) =	vpush v7, $0xF;
	_ =	sdelay $0x3  }
0x9f: {  	v7, _, _ =	vpop (xrf2)  }
0xa0: {  	(v2sf) =	vpush v7, $0xF;
	v7, _, _ =	vpop (xrf2)  }
0xa1: {  	(v2sf) =	vpush v7, $0xF  }
0xa2: {  	v7, _, _ =	vpop (xrf2)  }
0xa3: {  	(v2sf) =	vpush v7, $0xF;
	_ =	sdelay $0x5  }
0xa4: {  	s3 =	sadd.f32 $0.0e+00, s3  }
0xa5: {  	s6 =	spop (v2sf)  }
0xa6: {  	s3 =	sadd.f32 s3, s6  }
0xa7: {  	s31 =	rddreg [dreg:$0x4]  }
0xa8: {  	v7 =	vld [tilespmem:$0x7300];
	s1 =	ssub.f32 s1, s3  }
0xa9: {  	v52 =	vld [tilespmem:$0x7310];
	s3 =	sadd.f32 $0.0e+00, s4  }
0xaa: {  	v53 =	vld [tilespmem:$0x7580];
	s4 =	spop (v2sf);
	s1 =	smul.f32 $5.000000000e-01, s1  }
0xab: {  	v54 =	vld [tilespmem:$0x7680];
	s3 =	sadd.f32 s4, s3;
	s6 =	spop (v2sf)  }
0xac: {  	v55 =	vld [tilespmem:$0x7590];
	s0 =	sadd.s32 s5, s0;
	p1 =	sge.s32 s30, s31;
	s6 =	sadd.f32 $0.0e+00, s6  }
0xad: {  	v57 =	vld [tilespmem:$0x7780];
	[tilespmem:$0x7200] =	vst v6;
	v7 =	vsel vm12, s0, v7;
	s5 =	smov.u32 s1;
	s1 =	simm.s32 @p0 $0x0;
	s4 =	spop (v2sf)  }
0xae: {  	v56 =	vmov s30;
	v6 =	vld [tilespmem:$0x7690];
	[tilespmem:$0x7300] =	vst v7;
	v7 =	vsel vm3, s0, v52;
	s5 =	simm.s32 @!p0 $0x0;
	s1 =	simm.s32 @p1 $0x0;
	s4 =	sadd.f32 s6, s4  }
0xaf: {  	[tilespmem:$0x7210] =	vst v45;
	vm3 =	veq.s32 v56, v2;
	s3 =	simm.s32 @!p0 $0x3F800000;
	v58 =	vmov s5;
	v59 =	vmov s1  }
0xb0: {  	[tilespmem:$0x7310] =	vst v7;
	v7 =	vsel vm3, s3, v53;
	v9 =	vnsel vm1, $0x0, v58;
	v60 =	vnsel vm2, $0x0, v59;
	s4 =	simm.s32 @p1 $0x3F800000  }
0xb1: {  	vm4 =	veq.s32 v56, v5;
	[tilespmem:$0x7580] =	vst v7;
	v61 =	vadd.f32 v60, v9;
	v7 =	vsel vm3, s4, v54  }
0xb2: {  	[tilespmem:$0x7680] =	vst v7;
	v7 =	vsel vm4, s3, v55  }
0xb3: {  	v6 =	vsel vm4, s4, v6;
	[tilespmem:$0x7590] =	vst v7;
	v7 =	vadd.f32 v61, v57  }
0xb4: {  	v25 =	vld [tilespmem:$0x7290];
	[tilespmem:$0x7690] =	vst v6  }
0xb5: {  	v6 =	vld [tilespmem:$0x7280];
	[tilespmem:$0x7780] =	vst v7  }
0xb6: {  	v7 =	vld [tilespmem:s29+$0x0]  }
0xb7: {  	v62 =	vld [tilespmem:s26+$0x0]  }
0xb8: {  	v63 =	vld [tilespmem:s25+$0x0]  }
0xb9: {  	v24 =	vld [tilespmem:s24+$0x0]  }
0xba: {  	v26 =	vld [tilespmem:s25+$0x10]  }
0xbb: {  	v27 =	vld [tilespmem:s24+$0x10]  }
0xbc: {  	v28 =	vld [tilespmem:s23+$0x0]  }
0xbd: {  	v29 =	vld [tilespmem:s22+$0x0]  }
0xbe: {  	v30 =	vld [tilespmem:s29+$0x10]  }
0xbf: {  	v33 =	vld [tilespmem:s26+$0x10]  }
0xc0: {  	v34 =	vld [tilespmem:s23+$0x10];
	v31 =	vsub.f32 v63, v6;
	v32 =	vsub.f32 v24, v6  }
0xc1: {  	v37 =	vld [tilespmem:s22+$0x10];
	v35 =	vsub.f32 v26, v25;
	v36 =	vsub.f32 v27, v25  }
0xc2: {  	v17 =	vmul.f32 $5.000000000e-01, v31;
	v18 =	vmul.f32 $5.000000000e-01, v32  }
0xc3: {  	v21 =	vmul.f32 $5.000000000e-01, v35;
	v22 =	vmul.f32 $5.000000000e-01, v36  }
0xc4: {  	v7 =	vadd.f32 v17, v7;
	v8 =	vadd.f32 v18, v62  }
0xc5: {  	v16 =	vadd.f32 v21, v30;
	v38 =	vadd.f32 v22, v33  }
0xc6: {  	vm7 =	vlt.s32 v28, v29;
	vm8 =	vlt.s32 v34, v37;
	vm14 =	veq.f32 v7, v8  }
0xc7: {  	vm13 =	vgt.f32 v7, v8;
	vm15 =	veq.f32 v16, v38;
	vm6 =	vmand vm7, vm14  }
0xc8: {  	vm10 =	vgt.f32 v16, v38;
	vm9 =	vmand vm8, vm15;
	vm6 =	vmor vm13, vm6  }
0xc9: {  	vm5 =	vmor vm10, vm9;
	v7 =	vsel vm6, v7, v8  }
0xca: {  	v39 =	vsel vm5, v16, v38;
	(xrf0) =	vmax.scan.msk.f32 $0xffff, v7  }
0xcb: {  	(xrf0) =	vmax.scan.msk.f32 $0xffff, v39;
	_ =	sdelay $0x4  }
0xcc: {  	v40, _, _ =	vpop (xrf0)  }
0xcd: {  	(v2sf) =	vpush v40, $0xF;
	v41, _, _ =	vpop (xrf0)  }
0xce: {  	(v2sf) =	vpush v41, $0xF;
	_ =	sdelay $0xd  }
0xcf: {  	s1 =	spop (v2sf)  }
0xd0: {  	s3 =	spop (v2sf)  }
0xd1: {  	s0 =	smax.f32 s1, s3  }
0xd2: {  	vm11 =	veq.f32 v7, s0  }
0xd3: {  	vm12 =	veq.f32 v39, s0;
	v7 =	vnsel vm11, $0x800003E7, v3  }
0xd4: {  	(xrf0) =	vmin.scan.msk.u32 $0xffff, v7;
	v7 =	vnsel vm12, $0x800003E7, v4  }
0xd5: {  	(xrf0) =	vmin.scan.msk.u32 $0xffff, v7;
	_ =	sdelay $0x4  }
0xd6: {  	v7, _, _ =	vpop (xrf0)  }
0xd7: {  	(v2sf) =	vpush v7, $0xF;
	v7, _, _ =	vpop (xrf0)  }
0xd8: {  	(v2sf) =	vpush v7, $0xF;
	_ =	sdelay $0x7  }
0xd9: {  	v7 =	vmul.f32 $-5.000000000e-01, v6;
	_ =	sdelay $0x1  }
0xda: {  	v7 =	vmul.f32 $1.442695020e+00, v7;
	_ =	sdelay $0x1  }
0xdb: {  	(erf) = vpow2.f32 v7;
	_ =	sdelay $0x1  }
0xdc: {  	s4 =	spop (v2sf)  }
0xdd: {  	s5 =	spop (v2sf)  }
0xde: {  	s0 =	sxor.u32 $0x80000000, s4;
	s1 =	sxor.u32 $0x80000000, s5  }
0xdf: {  	v7 =	vld [tilespmem:$0x7400];
	p0 =	slt.s32 s0, s1  }
0xe0: {  	s1 =	smov.u32 @p0 s0  }
0xe1: {  	v42 =	vmov s1  }
0xe2: {  	v9 =	vsel vm6, v63, v24;
	vm13 =	veq.s32 v42, v2  }
0xe3: {  	v43 =	vpop (erf);
	v9 =	vnsel vm13, $0x0, v9  }
0xe4: {  	v7 =	vmul.f32 v7, v43;
	v44 =	vnsel vm13, $0x0, v6;
	(xrf2) =	vadd.scan.msk.f32 $0xffff, v9  }
0xe5: {  	v45 =	vsel vm6, v28, v29;
	(xrf2) =	vadd.scan.msk.f32 $0xffff, v44  }
0xe6: {  	v46 =	vsel vm5, v26, v27;
	vm14 =	veq.s32 v42, v5;
	v10 =	vnsel vm13, $0x0, v45;
	(xrf2) =	vadd.scan.msk.f32 $0xffff, v7  }
0xe7: {  	(xrf0) =	vadd.scan.msk.s32 $0xffff, v10;
	v7 =	vnsel vm14, $0x0, v46  }
0xe8: {  	(xrf2) =	vadd.scan.msk.f32 $0xffff, v7  }
0xe9: {  	v7 =	vsel vm5, v34, v37  }
0xea: {  	v7 =	vnsel vm14, $0x0, v7  }
0xeb: {  	(xrf0) =	vadd.scan.msk.s32 $0xffff, v7;
	_ =	sdelay $0x1  }
0xec: {  	v7, _, _ =	vpop (xrf0)  }
0xed: {  	(v2sf) =	vpush v7, $0xF;
	v7, _, _ =	vpop (xrf2)  }
0xee: {  	(v2sf) =	vpush v7, $0xF;
	v7, _, _ =	vpop (xrf2)  }
0xef: {  	(v2sf) =	vpush v7, $0xF;
	v7, _, _ =	vpop (xrf2)  }
0xf0: {  	(v2sf) =	vpush v7, $0xF;
	v7, _, _ =	vpop (xrf0)  }
0xf1: {  	(v2sf) =	vpush v7, $0xF;
	v7, _, _ =	vpop (xrf2)  }
0xf2: {  	(v2sf) =	vpush v7, $0xF;
	_ =	sdelay $0x9  }
0xf3: {  	s0 =	spop (v2sf)  }
0xf4: {  	s6 =	spop (v2sf)  }
0xf5: {  	s4 =	spop (v2sf)  }
0xf6: {  	s31 =	rddreg [dreg:$0x5];
	s5 =	spop (v2sf)  }
0xf7: {  	s1 =	sadd.f32 $0.0e+00, s6;
	s6 =	spop (v2sf)  }
0xf8: {  	p0 =	slt.s32 s30, s31;
	vm5 =	vmmov vm0;
	s31 =	spop (v2sf)  }
0xf9: {  	vm5 =	vmneg @p0 vm5;
	v7 =	vmul.f32 $-5.000000000e-01, v25;
	s1 =	sadd.f32 s1, s31  }
0xfa: {  	vm15 =	vmand vm5, vm13  }
0xfb: {  	v7 =	vmul.f32 $1.442695020e+00, v7;
	v6 =	vsel vm15, s1, v6  }
0xfc: {  	vm5 =	vmand vm5, vm14;
	v47 =	vmul.f32 $-5.000000000e-01, v6  }
0xfd: {  	(erf) = vpow2.f32 v7;
	v48 =	vsel vm5, s1, v25  }
0xfe: {  	v7 =	vmul.f32 $-5.000000000e-01, v48;
	v8 =	vmul.f32 $1.442695020e+00, v47;
	_ =	sdelay $0x1  }
0xff: {  	v7 =	vmul.f32 $1.442695020e+00, v7;
	(erf) = vpow2.f32 v8;
	_ =	sdelay $0x1  }
0x100: {  	(erf) = vpow2.f32 v7;
	v7 =	vld [tilespmem:$0x7410];
	_ =	sdelay $0x2  }
0x101: {  	v49 =	vld [tilespmem:$0x7400];
	v50 =	vnsel vm14, $0x0, v25  }
0x102: {  	(xrf2) =	vadd.scan.msk.f32 $0xffff, v50;
	v51 =	vpop (erf)  }
0x103: {  	v52 =	vld [tilespmem:$0x7410];
	v7 =	vmul.f32 v7, v51;
	_ =	sdelay $0x1  }
0x104: {  	v53 =	vpop (erf)  }
0x105: {  	v8 =	vmul.f32 v53, v49  }
0x106: {  	(xrf2) =	vadd.scan.msk.f32 $0xffff, v7;
	v7 =	vpop (erf)  }
0x107: {  	v7 =	vmul.f32 v7, v52;
	(xrf2) =	vadd.scan.msk.f32 $0xffff, v8;
	_ =	sdelay $0x1  }
0x108: {  	(xrf2) =	vadd.scan.msk.f32 $0xffff, v7;
	_ =	sdelay $0x1  }
0x109: {  	v7, _, _ =	vpop (xrf2)  }
0x10a: {  	(v2sf) =	vpush v7, $0xF;
	_ =	sdelay $0x3  }
0x10b: {  	v7, _, _ =	vpop (xrf2)  }
0x10c: {  	(v2sf) =	vpush v7, $0xF;
	v8, _, _ =	vpop (xrf2)  }
0x10d: {  	(v2sf) =	vpush v8, $0xF  }
0x10e: {  	v7, _, _ =	vpop (xrf2)  }
0x10f: {  	(v2sf) =	vpush v7, $0xF;
	_ =	sdelay $0x5  }
0x110: {  	s4 =	sadd.f32 $0.0e+00, s4  }
0x111: {  	s31 =	spop (v2sf)  }
0x112: {  	s3 =	sadd.f32 s4, s31  }
0x113: {  	s5 =	sadd.f32 $0.0e+00, s5;
	v7 =	vld [tilespmem:$0x7380]  }
0x114: {  	v56 =	vld [tilespmem:$0x7700];
	s1 =	ssub.f32 s1, s3  }
0x115: {  	v54 =	vld [tilespmem:$0x7390];
	s31 =	rddreg [dreg:$0x6]  }
0x116: {  	v55 =	vld [tilespmem:$0x7600];
	s0 =	sadd.s32 s6, s0;
	s4 =	spop (v2sf);
	s1 =	smul.f32 $5.000000000e-01, s1  }
0x117: {  	v57 =	vld [tilespmem:$0x7610];
	p1 =	sge.s32 s30, s31;
	s4 =	sadd.f32 s4, s5;
	s3 =	spop (v2sf)  }
0x118: {  	[tilespmem:$0x7280] =	vst v6;
	v6 =	vld [tilespmem:$0x7710];
	v7 =	vsel vm15, s0, v7;
	s6 =	smov.u32 s1;
	s1 =	simm.s32 @p0 $0x0;
	s3 =	sadd.f32 $0.0e+00, s3  }
0x119: {  	[tilespmem:$0x7380] =	vst v7;
	v7 =	vld [tilespmem:$0x7800];
	s5 =	spop (v2sf);
	s6 =	simm.s32 @!p0 $0x0;
	s1 =	simm.s32 @p1 $0x0  }
0x11a: {  	[tilespmem:$0x7290] =	vst v48;
	v8 =	vsel vm5, s0, v54;
	s4 =	simm.s32 @!p0 $0x3F800000;
	v58 =	vmov s6;
	v59 =	vmov s1;
	s3 =	sadd.f32 s3, s5  }
0x11b: {  	[tilespmem:$0x7390] =	vst v8;
	v60 =	vsel vm3, s4, v55;
	p0 =	sne.s32 s30, $0x12;
	v9 =	vnsel vm1, $0x0, v58;
	v61 =	vnsel vm2, $0x0, v59  }
.Ltmp0:
0x11c: {  	v63 =	vsel vm4, s4, v57;
	[tilespmem:$0x7600] =	vst v60;
	v9 =	vadd.f32 v61, v9;
	s3 =	simm.s32 @p1 $0x3F800000;
	(pc) =	sbr.rel @p0 .LBB2_2-.Ltmp0, $4  }
0x11d: {  	[tilespmem:$0x7610] =	vst v63;
	v62 =	vsel vm3, s3, v56  }
0x11e: {  	s22 =	sadd.s32 $0x100, s22;
	v6 =	vsel vm4, s3, v6;
	v7 =	vadd.f32 v9, v7;
	[tilespmem:$0x7700] =	vst v62  }
0x11f: {  	s23 =	sadd.s32 $0x100, s23;
	s24 =	sadd.s32 $0x100, s24;
	s25 =	sadd.s32 $0x100, s25;
	[tilespmem:$0x7710] =	vst v6  }
0x120: {  	s26 =	sadd.s32 $0x100, s26;
	s29 =	sadd.s32 $0x100, s29;
	s30 =	sadd.s32 $0x1, s30;
	[tilespmem:$0x7800] =	vst v7  }
0x121: {  	[hbm4b:s13+s2] =	stream.linear.scatter [tilespmem:s28], [sflag:$0x1], $0x100, $0x38;
	[tilespmem:$0x7880] =	vst v63  }
0x122: {  	_ =	swait.ge [sflag:s20], $0x100  }
0x123: {  	[sflag:s20] =	ssyncset.done $0x0  }
0x124: {  	s0 =	simm.s32 $0x7580;
	[sflag:s20] =	ssyncadd.s32 $0xFFFFFF00  }
0x125: {  	[hbm4b:s14+s2] =	stream.linear.scatter [tilespmem:s0], [sflag:$0x1], $0x100, $0x38;
	[tilespmem:$0x7880] =	vst v63  }
0x126: {  	_ =	swait.ge [sflag:s20], $0x100  }
0x127: {  	[sflag:s20] =	ssyncset.done $0x0  }
0x128: {  	s30 =	simm.s32 $0x7680;
	[sflag:s20] =	ssyncadd.s32 $0xFFFFFF00  }
0x129: {  	[hbm4b:s15+s2] =	stream.linear.scatter [tilespmem:s30], [sflag:$0x1], $0x100, $0x38;
	[tilespmem:$0x7880] =	vst v63  }
0x12a: {  	s21 =	sadd.s32 $0x1, s21;
	_ =	swait.ge [sflag:s20], $0x100  }
0x12b: {  	p0 =	sne.s32 s21, s17;
	[sflag:s20] =	ssyncset.done $0x0  }
.Ltmp1:
0x12c: {  	s31 =	simm.s32 $0x7780;
	[sflag:s20] =	ssyncadd.s32 $0xFFFFFF00;
	(pc) =	sbr.rel @p0 .LBB2_1-.Ltmp1, $4  }
0x12d: {  	[hbm4b:s16+s2] =	stream.linear.scatter [tilespmem:s31], [sflag:$0x1], $0x100, $0x38;
	[tilespmem:$0x7880] =	vst v63  }
0x12e: {  	_ =	swait.ge [sflag:s20], $0x100  }
0x12f: {  	[sflag:s20] =	ssyncset.done $0x0  }
0x130: {  	[sflag:s20] =	ssyncadd.s32 $0xFFFFFF00  }
0x131: {  	_ =	sfence.sel $0x180000  }
0x132: {  	[bflag:$0x0] =	sbarrier.arrive $0xFFFF  }
0x133: {  	_ =	strace $0x90000047  }
0x134: {  	s0 =	stileid.u32;
	[bflag:$0x2] =	sbarrier.arrive $0xFFFF  }
0x135: {  	p0 =	sne.s32 s0, $0x0;
	s0 =	rddreg [dreg:$0x2]  }
0x136: {  	s0 =	sadd.s32 @!p0 $0x100000, s0  }
0x137: {  	[sflag:s0] =	ssyncadd.tile.s32 @!p0 $0x1;
	_ =	shalt  }
.Lfunc_end2:
_tile_overlayer_lowered:
.L_overlay_start_2:
0x138: {  	(tag) =	ssettag $0x2  }
0x139: {  	s0 =	rddreg [dreg:$0x0];
	s2 =	stileid.u32  }
0x13a: {  	s1 =	rddreg [dreg:$0x1];
	p0 =	sne.s32 s2, $0x0  }
0x13b: {  	s3 =	rddreg [dreg:$0x2];
	[bflag:$0x3] =	sbarrier.arrive $0xFFFF;
	s2 =	simm.s32 @!p0 $0x1C01  }
0x13c: {  	[timem:s3], [sflag:s2] =	dma.local @!p0 [hbm:s0], s1  }
0x13d: {  	s0 =	simm.s32 @!p0 $0x1  }
0x13e: {  	_ =	swait.ge @!p0 [sflag:s0], s1  }
0x13f: {  	s1 =	ssub.s32 @!p0 $0x0, s1;
	[sflag:s0] =	ssyncset.done @!p0 $0x0  }
0x140: {  	[sflag:s0] =	ssyncadd.s32 @!p0 s1  }
0x141: {  	[bflag:$0x3] =	sbarrier.arrive $0xFFFF  }
0x142: {  	_ =	shalt  }

</sc_bundles>
